<compile_context>
chip_gen: v7x
topology: tpu7x:2x2x1
jax: 0.10.2.dev20260603
libtpu: 0.0.44.dev20260713+nightly
codegen_flags: <defaults>
</compile_context>

<pallas_src>
import functools

import jax
import jax.numpy as jnp
from jax import lax
from jax.experimental import pallas as pl
from jax.experimental.pallas import tpu as pltpu
from jax.experimental.pallas import tpu_sc as plsc

N_REGIONS = 100000
N_PAIRS = 1000000
N_COMP = 128
B = 16384

NC = 2
NS = 16
NW = NC * NS
B_PER_W = B // NW
CHUNK = 128
N_CHUNKS = B_PER_W // CHUNK
L = 16
NBUF = 6


@functools.partial(
    pl.kernel,
    mesh=plsc.VectorSubcoreMesh(core_axis_name="c", subcore_axis_name="s"),
    compiler_params=pltpu.CompilerParams(
        disable_bounds_checks=True,
        disable_semaphore_checks=True,
        skip_device_barrier=True,
    ),
    out_type=(
        jax.ShapeDtypeStruct((B, N_COMP), jnp.float32),
        jax.ShapeDtypeStruct((B, N_COMP), jnp.float32),
    ),
    scratch_types=[
        pltpu.VMEM((B_PER_W,), jnp.int32),
        pltpu.VMEM((B_PER_W,), jnp.int32),
        pltpu.VMEM((B_PER_W,), jnp.int32),
        [pltpu.VMEM((CHUNK, N_COMP), jnp.float32) for _ in range(NBUF)],
        pltpu.SemaphoreType.DMA,
        [pltpu.SemaphoreType.DMA for _ in range(NBUF)],
        [pltpu.SemaphoreType.DMA for _ in range(NBUF)],
    ],
)
def _pca_gather(idx_hbm, pi_hbm, pj_hbm, proj_hbm, out_i_hbm, out_j_hbm,
                idx_v, ri_v, rj_v, bufs, psem, gsems, wsems):
    wid = lax.axis_index("s") * NC + lax.axis_index("c")
    base = wid * B_PER_W

    pltpu.sync_copy(idx_hbm.at[pl.ds(base, B_PER_W)], idx_v)

    pair_copies = []
    for src_hbm, dst in ((pi_hbm, ri_v), (pj_hbm, rj_v)):
        for c in range(N_CHUNKS):
            pair_copies.append(pltpu.async_copy(
                src_hbm.at[idx_v.at[pl.ds(c * CHUNK, CHUNK)]],
                dst.at[pl.ds(c * CHUNK, CHUNK)],
                psem,
            ))
    for cp in pair_copies:
        cp.wait()

    jobs = [(rv, c, out_hbm)
            for rv, out_hbm in ((ri_v, out_i_hbm), (rj_v, out_j_hbm))
            for c in range(N_CHUNKS)]

    def fire_gather(t):
        rv, c, _ = jobs[t]
        b = t % NBUF
        return pltpu.async_copy(
            proj_hbm.at[rv.at[pl.ds(c * CHUNK, CHUNK)]], bufs[b], gsems[b])

    def fire_writeback(t):
        _, c, out_hbm = jobs[t]
        b = t % NBUF
        return pltpu.async_copy(
            bufs[b], out_hbm.at[pl.ds(base + c * CHUNK, CHUNK)], wsems[b])

    n_jobs = len(jobs)
    gathers = [None] * n_jobs
    wbs = [None] * n_jobs
    for t in range(min(NBUF, n_jobs)):
        gathers[t] = fire_gather(t)
    for t in range(n_jobs):
        gathers[t].wait()
        wbs[t] = fire_writeback(t)
        u = t + NBUF
        if u < n_jobs:
            wbs[t].wait()
            gathers[u] = fire_gather(u)
    for t in range(max(0, n_jobs - NBUF), n_jobs):
        wbs[t].wait()


SPLIT_BLK = 16384
SPLIT_PAD = 1 << 20
SPLIT_GRID = -(-N_PAIRS // SPLIT_BLK)


def _split_body(pairs_ref, pi_ref, pj_ref):
    i = pl.program_id(0)
    pi_ref[pl.ds(i * SPLIT_BLK, SPLIT_BLK)] = pairs_ref[:, 0]
    pj_ref[pl.ds(i * SPLIT_BLK, SPLIT_BLK)] = pairs_ref[:, 1]


_split_cols = pl.pallas_call(
    _split_body,
    grid=(SPLIT_GRID,),
    in_specs=[pl.BlockSpec((SPLIT_BLK, 2), lambda i: (i, 0))],
    out_specs=[pl.BlockSpec((SPLIT_PAD,), lambda i: (0,))] * 2,
    out_shape=[jax.ShapeDtypeStruct((SPLIT_PAD,), jnp.int32)] * 2,
)


def kernel(x, expanded_idx, pair_table, cached_projection):
    del x
    pair_i, pair_j = _split_cols(pair_table)
    return _pca_gather(expanded_idx, pair_i, pair_j, cached_projection)

# --- scband reference (transcript-rebuilt; emitter-appended) ---
"""Pipeline reference for scband-pcaencoder-28226525070194 (READ-ONLY COPY).

The authoritative reference and input builder live on the scoring server;
editing this copy changes nothing except your own understanding.
"""

import jax, jax.numpy as jnp
import numpy as np

N_REGIONS = 100000   # rows in cached PCA projection
N_PAIRS = 1000000    # size of expanded_idx_to_valid_pair mapping
N_COMP = 128         # PCA n_components
B = 16384            # batch of expanded indices


def setup_inputs(seed: int = 0) -> dict:
    key = jax.random.key(seed)
    k1, k2, k3, k4 = jax.random.split(key, 4)
    # forward inputs
    x = jax.random.normal(k1, (B, N_COMP), dtype=jnp.float32)
    expanded_idx = jax.random.randint(k2, (B,), 0, N_PAIRS, dtype=jnp.int32)
    # module state: expanded_idx -> (region_i, region_j) lookup table
    pair_table = jax.random.randint(k3, (N_PAIRS, 2), 0, N_REGIONS, dtype=jnp.int32)
    # module state: cached_projection = (X - mean) @ proj_matrix, precomputed in __init__
    cached_projection = jax.random.normal(k4, (N_REGIONS, N_COMP), dtype=jnp.float32)
    return {
        "x": x,
        "expanded_idx": expanded_idx,
        "pair_table": pair_table,
        "cached_projection": cached_projection,
    }


def reference(x, expanded_idx, pair_table, cached_projection):
    # idxs = expanded_idx.view(-1)
    idxs = expanded_idx.reshape(-1)
    # region_pairs = expanded_idx_to_valid_pair[idx] for each idx  -> gather on pair_table
    region_pairs = jnp.take(pair_table, idxs, axis=0)
    region_i = region_pairs[:, 0]
    region_j = region_pairs[:, 1]
    # x_scores = cached_projection[region_*]  -> embedding-style gather
    x_scores_i = jnp.take(cached_projection, region_i, axis=0)
    x_scores_j = jnp.take(cached_projection, region_j, axis=0)
    return (x_scores_i, x_scores_j)

if __name__ == "__main__":
    import jax
    _d = setup_inputs()
    print(jax.jit(kernel)(*tuple(_d.values())))

</pallas_src>

<mosaic_0001>
#map = affine_map<(d0, d1) -> (0)>
#map1 = affine_map<(d0, d1) -> (0, 0)>
module attributes {stable_mosaic.version = 14 : i64} {
  func.func @_pca_gather(%arg0: i32, %arg1: i32, %arg2: memref<16384xi32, #tpu.memory_space<hbm>>, %arg3: memref<1048576xi32, #tpu.memory_space<hbm>>, %arg4: memref<1048576xi32, #tpu.memory_space<hbm>>, %arg5: memref<100000x128xf32, #tpu.memory_space<hbm>>, %arg6: memref<16384x128xf32, #tpu.memory_space<hbm>>, %arg7: memref<16384x128xf32, #tpu.memory_space<hbm>>, %arg8: memref<512xi32, #tpu.memory_space<vmem>>, %arg9: memref<512xi32, #tpu.memory_space<vmem>>, %arg10: memref<512xi32, #tpu.memory_space<vmem>>, %arg11: memref<128x128xf32, #tpu.memory_space<vmem>>, %arg12: memref<128x128xf32, #tpu.memory_space<vmem>>, %arg13: memref<128x128xf32, #tpu.memory_space<vmem>>, %arg14: memref<128x128xf32, #tpu.memory_space<vmem>>, %arg15: memref<128x128xf32, #tpu.memory_space<vmem>>, %arg16: memref<128x128xf32, #tpu.memory_space<vmem>>, %arg17: memref<!tpu.dma_semaphore, #tpu.memory_space<semaphore_mem>>, %arg18: memref<!tpu.dma_semaphore, #tpu.memory_space<semaphore_mem>>, %arg19: memref<!tpu.dma_semaphore, #tpu.memory_space<semaphore_mem>>, %arg20: memref<!tpu.dma_semaphore, #tpu.memory_space<semaphore_mem>>, %arg21: memref<!tpu.dma_semaphore, #tpu.memory_space<semaphore_mem>>, %arg22: memref<!tpu.dma_semaphore, #tpu.memory_space<semaphore_mem>>, %arg23: memref<!tpu.dma_semaphore, #tpu.memory_space<semaphore_mem>>, %arg24: memref<!tpu.dma_semaphore, #tpu.memory_space<semaphore_mem>>, %arg25: memref<!tpu.dma_semaphore, #tpu.memory_space<semaphore_mem>>, %arg26: memref<!tpu.dma_semaphore, #tpu.memory_space<semaphore_mem>>, %arg27: memref<!tpu.dma_semaphore, #tpu.memory_space<semaphore_mem>>, %arg28: memref<!tpu.dma_semaphore, #tpu.memory_space<semaphore_mem>>, %arg29: memref<!tpu.dma_semaphore, #tpu.memory_space<semaphore_mem>>) attributes {dimension_semantics = [#tpu.dimension_semantics<core_parallel>, #tpu.dimension_semantics<subcore_parallel>], iteration_bounds = array<i64: 2, 16>, scalar_prefetch = 0 : i64, scratch_operands = 22 : i64, tpu.core_type = #tpu.core_type<sc_vector_subcore>, window_params = [{transform_indices = #map}, {transform_indices = #map}, {transform_indices = #map}, {transform_indices = #map1}, {transform_indices = #map1}, {transform_indices = #map1}]} {
    %mul3A = arith.constant 2 : i32
    %mul3A_0 = arith.muli %arg1, %mul3A : i32
    %add3A = arith.addi %mul3A_0, %arg0 : i32
    %mul3A_1 = arith.constant 512 : i32
    %mul3A_2 = arith.muli %add3A, %mul3A_1 : i32
    "tpu.region"() ({
      %run_scoped3A = tpu.sem_alloc : memref<!tpu.dma_semaphore, #tpu.memory_space<semaphore_mem>>
      %dma_start3A_257 = tpu.memref_slice %arg2[%mul3A_2] : memref<16384xi32, #tpu.memory_space<hbm>> -> memref<512xi32, #tpu.memory_space<hbm>>
      %dma_start3A_258 = tpu.memref_slice %arg2[%mul3A_2] : memref<16384xi32, #tpu.memory_space<hbm>> -> memref<512xi32, #tpu.memory_space<hbm>>
      tpu.enqueue_dma source(%dma_start3A_258 : memref<512xi32, #tpu.memory_space<hbm>>) target(%arg8 : memref<512xi32, #tpu.memory_space<vmem>>) target_semaphore(%run_scoped3A : memref<!tpu.dma_semaphore, #tpu.memory_space<semaphore_mem>>)
      %dma_wait3A_259 = tpu.memref_slice %arg2[%mul3A_2] : memref<16384xi32, #tpu.memory_space<hbm>> -> memref<512xi32, #tpu.memory_space<hbm>>
      %dma_wait3A_260 = tpu.memref_slice %arg2[%mul3A_2] : memref<16384xi32, #tpu.memory_space<hbm>> -> memref<512xi32, #tpu.memory_space<hbm>>
      tpu.wait_dma2 semaphore(%run_scoped3A : memref<!tpu.dma_semaphore, #tpu.memory_space<semaphore_mem>>) src(%dma_wait3A_260 : memref<512xi32, #tpu.memory_space<hbm>>) dst(%arg8 : memref<512xi32, #tpu.memory_space<vmem>>)
      tpu.yield
    }) : () -> ()
    %dma_start3A = arith.constant 0 : i32
    %dma_start3A_3 = tpu.memref_slice %arg9[%dma_start3A] : memref<512xi32, #tpu.memory_space<vmem>> -> memref<128xi32, #tpu.memory_space<vmem>>
    %dma_start3A_4 = arith.constant 0 : i32
    %dma_start3A_5 = tpu.memref_slice %arg8[%dma_start3A_4] : memref<512xi32, #tpu.memory_space<vmem>> -> memref<128xi32, #tpu.memory_space<vmem>>
    %dma_start3A_6 = arith.constant 0 : i32
    %dma_start3A_7 = tpu.memref_slice %arg3[%dma_start3A_6] : memref<1048576xi32, #tpu.memory_space<hbm>> -> memref<1048576xi32, #tpu.memory_space<hbm>>
    tpu.enqueue_indirect_dma source(%dma_start3A_7 : memref<1048576xi32, #tpu.memory_space<hbm>>) target(%dma_start3A_3 : memref<128xi32, #tpu.memory_space<vmem>>) offsets(%dma_start3A_5 : memref<128xi32, #tpu.memory_space<vmem>>) semaphore(%arg17 : memref<!tpu.dma_semaphore, #tpu.memory_space<semaphore_mem>>)
    %dma_start3A_8 = arith.constant 128 : i32
    %dma_start3A_9 = tpu.memref_slice %arg9[%dma_start3A_8] : memref<512xi32, #tpu.memory_space<vmem>> -> memref<128xi32, #tpu.memory_space<vmem>>
    %dma_start3A_10 = arith.constant 128 : i32
    %dma_start3A_11 = tpu.memref_slice %arg8[%dma_start3A_10] : memref<512xi32, #tpu.memory_space<vmem>> -> memref<128xi32, #tpu.memory_space<vmem>>
    %dma_start3A_12 = arith.constant 0 : i32
    %dma_start3A_13 = tpu.memref_slice %arg3[%dma_start3A_12] : memref<1048576xi32, #tpu.memory_space<hbm>> -> memref<1048576xi32, #tpu.memory_space<hbm>>
    tpu.enqueue_indirect_dma source(%dma_start3A_13 : memref<1048576xi32, #tpu.memory_space<hbm>>) target(%dma_start3A_9 : memref<128xi32, #tpu.memory_space<vmem>>) offsets(%dma_start3A_11 : memref<128xi32, #tpu.memory_space<vmem>>) semaphore(%arg17 : memref<!tpu.dma_semaphore, #tpu.memory_space<semaphore_mem>>)
    %dma_start3A_14 = arith.constant 256 : i32
    %dma_start3A_15 = tpu.memref_slice %arg9[%dma_start3A_14] : memref<512xi32, #tpu.memory_space<vmem>> -> memref<128xi32, #tpu.memory_space<vmem>>
    %dma_start3A_16 = arith.constant 256 : i32
    %dma_start3A_17 = tpu.memref_slice %arg8[%dma_start3A_16] : memref<512xi32, #tpu.memory_space<vmem>> -> memref<128xi32, #tpu.memory_space<vmem>>
    %dma_start3A_18 = arith.constant 0 : i32
    %dma_start3A_19 = tpu.memref_slice %arg3[%dma_start3A_18] : memref<1048576xi32, #tpu.memory_space<hbm>> -> memref<1048576xi32, #tpu.memory_space<hbm>>
    tpu.enqueue_indirect_dma source(%dma_start3A_19 : memref<1048576xi32, #tpu.memory_space<hbm>>) target(%dma_start3A_15 : memref<128xi32, #tpu.memory_space<vmem>>) offsets(%dma_start3A_17 : memref<128xi32, #tpu.memory_space<vmem>>) semaphore(%arg17 : memref<!tpu.dma_semaphore, #tpu.memory_space<semaphore_mem>>)
    %dma_start3A_20 = arith.constant 384 : i32
    %dma_start3A_21 = tpu.memref_slice %arg9[%dma_start3A_20] : memref<512xi32, #tpu.memory_space<vmem>> -> memref<128xi32, #tpu.memory_space<vmem>>
    %dma_start3A_22 = arith.constant 384 : i32
    %dma_start3A_23 = tpu.memref_slice %arg8[%dma_start3A_22] : memref<512xi32, #tpu.memory_space<vmem>> -> memref<128xi32, #tpu.memory_space<vmem>>
    %dma_start3A_24 = arith.constant 0 : i32
    %dma_start3A_25 = tpu.memref_slice %arg3[%dma_start3A_24] : memref<1048576xi32, #tpu.memory_space<hbm>> -> memref<1048576xi32, #tpu.memory_space<hbm>>
    tpu.enqueue_indirect_dma source(%dma_start3A_25 : memref<1048576xi32, #tpu.memory_space<hbm>>) target(%dma_start3A_21 : memref<128xi32, #tpu.memory_space<vmem>>) offsets(%dma_start3A_23 : memref<128xi32, #tpu.memory_space<vmem>>) semaphore(%arg17 : memref<!tpu.dma_semaphore, #tpu.memory_space<semaphore_mem>>)
    %dma_start3A_26 = arith.constant 0 : i32
    %dma_start3A_27 = tpu.memref_slice %arg10[%dma_start3A_26] : memref<512xi32, #tpu.memory_space<vmem>> -> memref<128xi32, #tpu.memory_space<vmem>>
    %dma_start3A_28 = arith.constant 0 : i32
    %dma_start3A_29 = tpu.memref_slice %arg8[%dma_start3A_28] : memref<512xi32, #tpu.memory_space<vmem>> -> memref<128xi32, #tpu.memory_space<vmem>>
    %dma_start3A_30 = arith.constant 0 : i32
    %dma_start3A_31 = tpu.memref_slice %arg4[%dma_start3A_30] : memref<1048576xi32, #tpu.memory_space<hbm>> -> memref<1048576xi32, #tpu.memory_space<hbm>>
    tpu.enqueue_indirect_dma source(%dma_start3A_31 : memref<1048576xi32, #tpu.memory_space<hbm>>) target(%dma_start3A_27 : memref<128xi32, #tpu.memory_space<vmem>>) offsets(%dma_start3A_29 : memref<128xi32, #tpu.memory_space<vmem>>) semaphore(%arg17 : memref<!tpu.dma_semaphore, #tpu.memory_space<semaphore_mem>>)
    %dma_start3A_32 = arith.constant 128 : i32
    %dma_start3A_33 = tpu.memref_slice %arg10[%dma_start3A_32] : memref<512xi32, #tpu.memory_space<vmem>> -> memref<128xi32, #tpu.memory_space<vmem>>
    %dma_start3A_34 = arith.constant 128 : i32
    %dma_start3A_35 = tpu.memref_slice %arg8[%dma_start3A_34] : memref<512xi32, #tpu.memory_space<vmem>> -> memref<128xi32, #tpu.memory_space<vmem>>
    %dma_start3A_36 = arith.constant 0 : i32
    %dma_start3A_37 = tpu.memref_slice %arg4[%dma_start3A_36] : memref<1048576xi32, #tpu.memory_space<hbm>> -> memref<1048576xi32, #tpu.memory_space<hbm>>
    tpu.enqueue_indirect_dma source(%dma_start3A_37 : memref<1048576xi32, #tpu.memory_space<hbm>>) target(%dma_start3A_33 : memref<128xi32, #tpu.memory_space<vmem>>) offsets(%dma_start3A_35 : memref<128xi32, #tpu.memory_space<vmem>>) semaphore(%arg17 : memref<!tpu.dma_semaphore, #tpu.memory_space<semaphore_mem>>)
    %dma_start3A_38 = arith.constant 256 : i32
    %dma_start3A_39 = tpu.memref_slice %arg10[%dma_start3A_38] : memref<512xi32, #tpu.memory_space<vmem>> -> memref<128xi32, #tpu.memory_space<vmem>>
    %dma_start3A_40 = arith.constant 256 : i32
    %dma_start3A_41 = tpu.memref_slice %arg8[%dma_start3A_40] : memref<512xi32, #tpu.memory_space<vmem>> -> memref<128xi32, #tpu.memory_space<vmem>>
    %dma_start3A_42 = arith.constant 0 : i32
    %dma_start3A_43 = tpu.memref_slice %arg4[%dma_start3A_42] : memref<1048576xi32, #tpu.memory_space<hbm>> -> memref<1048576xi32, #tpu.memory_space<hbm>>
    tpu.enqueue_indirect_dma source(%dma_start3A_43 : memref<1048576xi32, #tpu.memory_space<hbm>>) target(%dma_start3A_39 : memref<128xi32, #tpu.memory_space<vmem>>) offsets(%dma_start3A_41 : memref<128xi32, #tpu.memory_space<vmem>>) semaphore(%arg17 : memref<!tpu.dma_semaphore, #tpu.memory_space<semaphore_mem>>)
    %dma_start3A_44 = arith.constant 384 : i32
    %dma_start3A_45 = tpu.memref_slice %arg10[%dma_start3A_44] : memref<512xi32, #tpu.memory_space<vmem>> -> memref<128xi32, #tpu.memory_space<vmem>>
    %dma_start3A_46 = arith.constant 384 : i32
    %dma_start3A_47 = tpu.memref_slice %arg8[%dma_start3A_46] : memref<512xi32, #tpu.memory_space<vmem>> -> memref<128xi32, #tpu.memory_space<vmem>>
    %dma_start3A_48 = arith.constant 0 : i32
    %dma_start3A_49 = tpu.memref_slice %arg4[%dma_start3A_48] : memref<1048576xi32, #tpu.memory_space<hbm>> -> memref<1048576xi32, #tpu.memory_space<hbm>>
    tpu.enqueue_indirect_dma source(%dma_start3A_49 : memref<1048576xi32, #tpu.memory_space<hbm>>) target(%dma_start3A_45 : memref<128xi32, #tpu.memory_space<vmem>>) offsets(%dma_start3A_47 : memref<128xi32, #tpu.memory_space<vmem>>) semaphore(%arg17 : memref<!tpu.dma_semaphore, #tpu.memory_space<semaphore_mem>>)
    %dma_wait3A = arith.constant 0 : i32
    %dma_wait3A_50 = tpu.memref_slice %arg9[%dma_wait3A] : memref<512xi32, #tpu.memory_space<vmem>> -> memref<128xi32, #tpu.memory_space<vmem>>
    %dma_wait3A_51 = arith.constant 0 : i32
    %dma_wait3A_52 = tpu.memref_slice %arg8[%dma_wait3A_51] : memref<512xi32, #tpu.memory_space<vmem>> -> memref<128xi32, #tpu.memory_space<vmem>>
    %dma_wait3A_53 = arith.constant 0 : i32
    %dma_wait3A_54 = tpu.memref_slice %arg3[%dma_wait3A_53] : memref<1048576xi32, #tpu.memory_space<hbm>> -> memref<1048576xi32, #tpu.memory_space<hbm>>
    tpu.wait_indirect_dma semaphore(%arg17 : memref<!tpu.dma_semaphore, #tpu.memory_space<semaphore_mem>>) src(%dma_wait3A_54 : memref<1048576xi32, #tpu.memory_space<hbm>>) dst(%dma_wait3A_50 : memref<128xi32, #tpu.memory_space<vmem>>)
    %dma_wait3A_55 = arith.constant 128 : i32
    %dma_wait3A_56 = tpu.memref_slice %arg9[%dma_wait3A_55] : memref<512xi32, #tpu.memory_space<vmem>> -> memref<128xi32, #tpu.memory_space<vmem>>
    %dma_wait3A_57 = arith.constant 128 : i32
    %dma_wait3A_58 = tpu.memref_slice %arg8[%dma_wait3A_57] : memref<512xi32, #tpu.memory_space<vmem>> -> memref<128xi32, #tpu.memory_space<vmem>>
    %dma_wait3A_59 = arith.constant 0 : i32
    %dma_wait3A_60 = tpu.memref_slice %arg3[%dma_wait3A_59] : memref<1048576xi32, #tpu.memory_space<hbm>> -> memref<1048576xi32, #tpu.memory_space<hbm>>
    tpu.wait_indirect_dma semaphore(%arg17 : memref<!tpu.dma_semaphore, #tpu.memory_space<semaphore_mem>>) src(%dma_wait3A_60 : memref<1048576xi32, #tpu.memory_space<hbm>>) dst(%dma_wait3A_56 : memref<128xi32, #tpu.memory_space<vmem>>)
    %dma_wait3A_61 = arith.constant 256 : i32
    %dma_wait3A_62 = tpu.memref_slice %arg9[%dma_wait3A_61] : memref<512xi32, #tpu.memory_space<vmem>> -> memref<128xi32, #tpu.memory_space<vmem>>
    %dma_wait3A_63 = arith.constant 256 : i32
    %dma_wait3A_64 = tpu.memref_slice %arg8[%dma_wait3A_63] : memref<512xi32, #tpu.memory_space<vmem>> -> memref<128xi32, #tpu.memory_space<vmem>>
    %dma_wait3A_65 = arith.constant 0 : i32
    %dma_wait3A_66 = tpu.memref_slice %arg3[%dma_wait3A_65] : memref<1048576xi32, #tpu.memory_space<hbm>> -> memref<1048576xi32, #tpu.memory_space<hbm>>
    tpu.wait_indirect_dma semaphore(%arg17 : memref<!tpu.dma_semaphore, #tpu.memory_space<semaphore_mem>>) src(%dma_wait3A_66 : memref<1048576xi32, #tpu.memory_space<hbm>>) dst(%dma_wait3A_62 : memref<128xi32, #tpu.memory_space<vmem>>)
    %dma_wait3A_67 = arith.constant 384 : i32
    %dma_wait3A_68 = tpu.memref_slice %arg9[%dma_wait3A_67] : memref<512xi32, #tpu.memory_space<vmem>> -> memref<128xi32, #tpu.memory_space<vmem>>
    %dma_wait3A_69 = arith.constant 384 : i32
    %dma_wait3A_70 = tpu.memref_slice %arg8[%dma_wait3A_69] : memref<512xi32, #tpu.memory_space<vmem>> -> memref<128xi32, #tpu.memory_space<vmem>>
    %dma_wait3A_71 = arith.constant 0 : i32
    %dma_wait3A_72 = tpu.memref_slice %arg3[%dma_wait3A_71] : memref<1048576xi32, #tpu.memory_space<hbm>> -> memref<1048576xi32, #tpu.memory_space<hbm>>
    tpu.wait_indirect_dma semaphore(%arg17 : memref<!tpu.dma_semaphore, #tpu.memory_space<semaphore_mem>>) src(%dma_wait3A_72 : memref<1048576xi32, #tpu.memory_space<hbm>>) dst(%dma_wait3A_68 : memref<128xi32, #tpu.memory_space<vmem>>)
    %dma_wait3A_73 = arith.constant 0 : i32
    %dma_wait3A_74 = tpu.memref_slice %arg10[%dma_wait3A_73] : memref<512xi32, #tpu.memory_space<vmem>> -> memref<128xi32, #tpu.memory_space<vmem>>
    %dma_wait3A_75 = arith.constant 0 : i32
    %dma_wait3A_76 = tpu.memref_slice %arg8[%dma_wait3A_75] : memref<512xi32, #tpu.memory_space<vmem>> -> memref<128xi32, #tpu.memory_space<vmem>>
    %dma_wait3A_77 = arith.constant 0 : i32
    %dma_wait3A_78 = tpu.memref_slice %arg4[%dma_wait3A_77] : memref<1048576xi32, #tpu.memory_space<hbm>> -> memref<1048576xi32, #tpu.memory_space<hbm>>
    tpu.wait_indirect_dma semaphore(%arg17 : memref<!tpu.dma_semaphore, #tpu.memory_space<semaphore_mem>>) src(%dma_wait3A_78 : memref<1048576xi32, #tpu.memory_space<hbm>>) dst(%dma_wait3A_74 : memref<128xi32, #tpu.memory_space<vmem>>)
    %dma_wait3A_79 = arith.constant 128 : i32
    %dma_wait3A_80 = tpu.memref_slice %arg10[%dma_wait3A_79] : memref<512xi32, #tpu.memory_space<vmem>> -> memref<128xi32, #tpu.memory_space<vmem>>
    %dma_wait3A_81 = arith.constant 128 : i32
    %dma_wait3A_82 = tpu.memref_slice %arg8[%dma_wait3A_81] : memref<512xi32, #tpu.memory_space<vmem>> -> memref<128xi32, #tpu.memory_space<vmem>>
    %dma_wait3A_83 = arith.constant 0 : i32
    %dma_wait3A_84 = tpu.memref_slice %arg4[%dma_wait3A_83] : memref<1048576xi32, #tpu.memory_space<hbm>> -> memref<1048576xi32, #tpu.memory_space<hbm>>
    tpu.wait_indirect_dma semaphore(%arg17 : memref<!tpu.dma_semaphore, #tpu.memory_space<semaphore_mem>>) src(%dma_wait3A_84 : memref<1048576xi32, #tpu.memory_space<hbm>>) dst(%dma_wait3A_80 : memref<128xi32, #tpu.memory_space<vmem>>)
    %dma_wait3A_85 = arith.constant 256 : i32
    %dma_wait3A_86 = tpu.memref_slice %arg10[%dma_wait3A_85] : memref<512xi32, #tpu.memory_space<vmem>> -> memref<128xi32, #tpu.memory_space<vmem>>
    %dma_wait3A_87 = arith.constant 256 : i32
    %dma_wait3A_88 = tpu.memref_slice %arg8[%dma_wait3A_87] : memref<512xi32, #tpu.memory_space<vmem>> -> memref<128xi32, #tpu.memory_space<vmem>>
    %dma_wait3A_89 = arith.constant 0 : i32
    %dma_wait3A_90 = tpu.memref_slice %arg4[%dma_wait3A_89] : memref<1048576xi32, #tpu.memory_space<hbm>> -> memref<1048576xi32, #tpu.memory_space<hbm>>
    tpu.wait_indirect_dma semaphore(%arg17 : memref<!tpu.dma_semaphore, #tpu.memory_space<semaphore_mem>>) src(%dma_wait3A_90 : memref<1048576xi32, #tpu.memory_space<hbm>>) dst(%dma_wait3A_86 : memref<128xi32, #tpu.memory_space<vmem>>)
    %dma_wait3A_91 = arith.constant 384 : i32
    %dma_wait3A_92 = tpu.memref_slice %arg10[%dma_wait3A_91] : memref<512xi32, #tpu.memory_space<vmem>> -> memref<128xi32, #tpu.memory_space<vmem>>
    %dma_wait3A_93 = arith.constant 384 : i32
    %dma_wait3A_94 = tpu.memref_slice %arg8[%dma_wait3A_93] : memref<512xi32, #tpu.memory_space<vmem>> -> memref<128xi32, #tpu.memory_space<vmem>>
    %dma_wait3A_95 = arith.constant 0 : i32
    %dma_wait3A_96 = tpu.memref_slice %arg4[%dma_wait3A_95] : memref<1048576xi32, #tpu.memory_space<hbm>> -> memref<1048576xi32, #tpu.memory_space<hbm>>
    tpu.wait_indirect_dma semaphore(%arg17 : memref<!tpu.dma_semaphore, #tpu.memory_space<semaphore_mem>>) src(%dma_wait3A_96 : memref<1048576xi32, #tpu.memory_space<hbm>>) dst(%dma_wait3A_92 : memref<128xi32, #tpu.memory_space<vmem>>)
    %dma_start3A_97 = arith.constant 0 : i32
    %dma_start3A_98 = tpu.memref_slice %arg9[%dma_start3A_97] : memref<512xi32, #tpu.memory_space<vmem>> -> memref<128xi32, #tpu.memory_space<vmem>>
    %dma_start3A_99 = arith.constant 0 : i32
    %dma_start3A_100 = arith.constant 0 : i32
    %dma_start3A_101 = tpu.memref_slice %arg5[%dma_start3A_99, %dma_start3A_100] : memref<100000x128xf32, #tpu.memory_space<hbm>> -> memref<100000x128xf32, #tpu.memory_space<hbm>>
    tpu.enqueue_indirect_dma source(%dma_start3A_101 : memref<100000x128xf32, #tpu.memory_space<hbm>>) target(%arg11 : memref<128x128xf32, #tpu.memory_space<vmem>>) offsets(%dma_start3A_98 : memref<128xi32, #tpu.memory_space<vmem>>) semaphore(%arg18 : memref<!tpu.dma_semaphore, #tpu.memory_space<semaphore_mem>>)
    %dma_start3A_102 = arith.constant 128 : i32
    %dma_start3A_103 = tpu.memref_slice %arg9[%dma_start3A_102] : memref<512xi32, #tpu.memory_space<vmem>> -> memref<128xi32, #tpu.memory_space<vmem>>
    %dma_start3A_104 = arith.constant 0 : i32
    %dma_start3A_105 = arith.constant 0 : i32
    %dma_start3A_106 = tpu.memref_slice %arg5[%dma_start3A_104, %dma_start3A_105] : memref<100000x128xf32, #tpu.memory_space<hbm>> -> memref<100000x128xf32, #tpu.memory_space<hbm>>
    tpu.enqueue_indirect_dma source(%dma_start3A_106 : memref<100000x128xf32, #tpu.memory_space<hbm>>) target(%arg12 : memref<128x128xf32, #tpu.memory_space<vmem>>) offsets(%dma_start3A_103 : memref<128xi32, #tpu.memory_space<vmem>>) semaphore(%arg19 : memref<!tpu.dma_semaphore, #tpu.memory_space<semaphore_mem>>)
    %dma_start3A_107 = arith.constant 256 : i32
    %dma_start3A_108 = tpu.memref_slice %arg9[%dma_start3A_107] : memref<512xi32, #tpu.memory_space<vmem>> -> memref<128xi32, #tpu.memory_space<vmem>>
    %dma_start3A_109 = arith.constant 0 : i32
    %dma_start3A_110 = arith.constant 0 : i32
    %dma_start3A_111 = tpu.memref_slice %arg5[%dma_start3A_109, %dma_start3A_110] : memref<100000x128xf32, #tpu.memory_space<hbm>> -> memref<100000x128xf32, #tpu.memory_space<hbm>>
    tpu.enqueue_indirect_dma source(%dma_start3A_111 : memref<100000x128xf32, #tpu.memory_space<hbm>>) target(%arg13 : memref<128x128xf32, #tpu.memory_space<vmem>>) offsets(%dma_start3A_108 : memref<128xi32, #tpu.memory_space<vmem>>) semaphore(%arg20 : memref<!tpu.dma_semaphore, #tpu.memory_space<semaphore_mem>>)
    %dma_start3A_112 = arith.constant 384 : i32
    %dma_start3A_113 = tpu.memref_slice %arg9[%dma_start3A_112] : memref<512xi32, #tpu.memory_space<vmem>> -> memref<128xi32, #tpu.memory_space<vmem>>
    %dma_start3A_114 = arith.constant 0 : i32
    %dma_start3A_115 = arith.constant 0 : i32
    %dma_start3A_116 = tpu.memref_slice %arg5[%dma_start3A_114, %dma_start3A_115] : memref<100000x128xf32, #tpu.memory_space<hbm>> -> memref<100000x128xf32, #tpu.memory_space<hbm>>
    tpu.enqueue_indirect_dma source(%dma_start3A_116 : memref<100000x128xf32, #tpu.memory_space<hbm>>) target(%arg14 : memref<128x128xf32, #tpu.memory_space<vmem>>) offsets(%dma_start3A_113 : memref<128xi32, #tpu.memory_space<vmem>>) semaphore(%arg21 : memref<!tpu.dma_semaphore, #tpu.memory_space<semaphore_mem>>)
    %dma_start3A_117 = arith.constant 0 : i32
    %dma_start3A_118 = tpu.memref_slice %arg10[%dma_start3A_117] : memref<512xi32, #tpu.memory_space<vmem>> -> memref<128xi32, #tpu.memory_space<vmem>>
    %dma_start3A_119 = arith.constant 0 : i32
    %dma_start3A_120 = arith.constant 0 : i32
    %dma_start3A_121 = tpu.memref_slice %arg5[%dma_start3A_119, %dma_start3A_120] : memref<100000x128xf32, #tpu.memory_space<hbm>> -> memref<100000x128xf32, #tpu.memory_space<hbm>>
    tpu.enqueue_indirect_dma source(%dma_start3A_121 : memref<100000x128xf32, #tpu.memory_space<hbm>>) target(%arg15 : memref<128x128xf32, #tpu.memory_space<vmem>>) offsets(%dma_start3A_118 : memref<128xi32, #tpu.memory_space<vmem>>) semaphore(%arg22 : memref<!tpu.dma_semaphore, #tpu.memory_space<semaphore_mem>>)
    %dma_start3A_122 = arith.constant 128 : i32
    %dma_start3A_123 = tpu.memref_slice %arg10[%dma_start3A_122] : memref<512xi32, #tpu.memory_space<vmem>> -> memref<128xi32, #tpu.memory_space<vmem>>
    %dma_start3A_124 = arith.constant 0 : i32
    %dma_start3A_125 = arith.constant 0 : i32
    %dma_start3A_126 = tpu.memref_slice %arg5[%dma_start3A_124, %dma_start3A_125] : memref<100000x128xf32, #tpu.memory_space<hbm>> -> memref<100000x128xf32, #tpu.memory_space<hbm>>
    tpu.enqueue_indirect_dma source(%dma_start3A_126 : memref<100000x128xf32, #tpu.memory_space<hbm>>) target(%arg16 : memref<128x128xf32, #tpu.memory_space<vmem>>) offsets(%dma_start3A_123 : memref<128xi32, #tpu.memory_space<vmem>>) semaphore(%arg23 : memref<!tpu.dma_semaphore, #tpu.memory_space<semaphore_mem>>)
    %dma_wait3A_127 = arith.constant 0 : i32
    %dma_wait3A_128 = tpu.memref_slice %arg9[%dma_wait3A_127] : memref<512xi32, #tpu.memory_space<vmem>> -> memref<128xi32, #tpu.memory_space<vmem>>
    %dma_wait3A_129 = arith.constant 0 : i32
    %dma_wait3A_130 = arith.constant 0 : i32
    %dma_wait3A_131 = tpu.memref_slice %arg5[%dma_wait3A_129, %dma_wait3A_130] : memref<100000x128xf32, #tpu.memory_space<hbm>> -> memref<100000x128xf32, #tpu.memory_space<hbm>>
    tpu.wait_indirect_dma semaphore(%arg18 : memref<!tpu.dma_semaphore, #tpu.memory_space<semaphore_mem>>) src(%dma_wait3A_131 : memref<100000x128xf32, #tpu.memory_space<hbm>>) dst(%arg11 : memref<128x128xf32, #tpu.memory_space<vmem>>)
    %add3A_132 = arith.constant 0 : i32
    %add3A_133 = arith.addi %mul3A_2, %add3A_132 : i32
    %dma_start3A_134 = arith.constant 0 : i32
    %dma_start3A_135 = tpu.memref_slice %arg6[%add3A_133, %dma_start3A_134] : memref<16384x128xf32, #tpu.memory_space<hbm>> -> memref<128x128xf32, #tpu.memory_space<hbm>>
    %dma_start3A_136 = arith.constant 0 : i32
    %dma_start3A_137 = tpu.memref_slice %arg6[%add3A_133, %dma_start3A_136] : memref<16384x128xf32, #tpu.memory_space<hbm>> -> memref<128x128xf32, #tpu.memory_space<hbm>>
    tpu.enqueue_dma source(%arg11 : memref<128x128xf32, #tpu.memory_space<vmem>>) target(%dma_start3A_137 : memref<128x128xf32, #tpu.memory_space<hbm>>) target_semaphore(%arg24 : memref<!tpu.dma_semaphore, #tpu.memory_space<semaphore_mem>>)
    %dma_wait3A_138 = arith.constant 0 : i32
    %dma_wait3A_139 = tpu.memref_slice %arg6[%add3A_133, %dma_wait3A_138] : memref<16384x128xf32, #tpu.memory_space<hbm>> -> memref<128x128xf32, #tpu.memory_space<hbm>>
    %dma_wait3A_140 = arith.constant 0 : i32
    %dma_wait3A_141 = tpu.memref_slice %arg6[%add3A_133, %dma_wait3A_140] : memref<16384x128xf32, #tpu.memory_space<hbm>> -> memref<128x128xf32, #tpu.memory_space<hbm>>
    tpu.wait_dma2 semaphore(%arg24 : memref<!tpu.dma_semaphore, #tpu.memory_space<semaphore_mem>>) src(%arg11 : memref<128x128xf32, #tpu.memory_space<vmem>>) dst(%dma_wait3A_141 : memref<128x128xf32, #tpu.memory_space<hbm>>)
    %dma_start3A_142 = arith.constant 256 : i32
    %dma_start3A_143 = tpu.memref_slice %arg10[%dma_start3A_142] : memref<512xi32, #tpu.memory_space<vmem>> -> memref<128xi32, #tpu.memory_space<vmem>>
    %dma_start3A_144 = arith.constant 0 : i32
    %dma_start3A_145 = arith.constant 0 : i32
    %dma_start3A_146 = tpu.memref_slice %arg5[%dma_start3A_144, %dma_start3A_145] : memref<100000x128xf32, #tpu.memory_space<hbm>> -> memref<100000x128xf32, #tpu.memory_space<hbm>>
    tpu.enqueue_indirect_dma source(%dma_start3A_146 : memref<100000x128xf32, #tpu.memory_space<hbm>>) target(%arg11 : memref<128x128xf32, #tpu.memory_space<vmem>>) offsets(%dma_start3A_143 : memref<128xi32, #tpu.memory_space<vmem>>) semaphore(%arg18 : memref<!tpu.dma_semaphore, #tpu.memory_space<semaphore_mem>>)
    %dma_wait3A_147 = arith.constant 128 : i32
    %dma_wait3A_148 = tpu.memref_slice %arg9[%dma_wait3A_147] : memref<512xi32, #tpu.memory_space<vmem>> -> memref<128xi32, #tpu.memory_space<vmem>>
    %dma_wait3A_149 = arith.constant 0 : i32
    %dma_wait3A_150 = arith.constant 0 : i32
    %dma_wait3A_151 = tpu.memref_slice %arg5[%dma_wait3A_149, %dma_wait3A_150] : memref<100000x128xf32, #tpu.memory_space<hbm>> -> memref<100000x128xf32, #tpu.memory_space<hbm>>
    tpu.wait_indirect_dma semaphore(%arg19 : memref<!tpu.dma_semaphore, #tpu.memory_space<semaphore_mem>>) src(%dma_wait3A_151 : memref<100000x128xf32, #tpu.memory_space<hbm>>) dst(%arg12 : memref<128x128xf32, #tpu.memory_space<vmem>>)
    %add3A_152 = arith.constant 128 : i32
    %add3A_153 = arith.addi %mul3A_2, %add3A_152 : i32
    %dma_start3A_154 = arith.constant 0 : i32
    %dma_start3A_155 = tpu.memref_slice %arg6[%add3A_153, %dma_start3A_154] : memref<16384x128xf32, #tpu.memory_space<hbm>> -> memref<128x128xf32, #tpu.memory_space<hbm>>
    %dma_start3A_156 = arith.constant 0 : i32
    %dma_start3A_157 = tpu.memref_slice %arg6[%add3A_153, %dma_start3A_156] : memref<16384x128xf32, #tpu.memory_space<hbm>> -> memref<128x128xf32, #tpu.memory_space<hbm>>
    tpu.enqueue_dma source(%arg12 : memref<128x128xf32, #tpu.memory_space<vmem>>) target(%dma_start3A_157 : memref<128x128xf32, #tpu.memory_space<hbm>>) target_semaphore(%arg25 : memref<!tpu.dma_semaphore, #tpu.memory_space<semaphore_mem>>)
    %dma_wait3A_158 = arith.constant 0 : i32
    %dma_wait3A_159 = tpu.memref_slice %arg6[%add3A_153, %dma_wait3A_158] : memref<16384x128xf32, #tpu.memory_space<hbm>> -> memref<128x128xf32, #tpu.memory_space<hbm>>
    %dma_wait3A_160 = arith.constant 0 : i32
    %dma_wait3A_161 = tpu.memref_slice %arg6[%add3A_153, %dma_wait3A_160] : memref<16384x128xf32, #tpu.memory_space<hbm>> -> memref<128x128xf32, #tpu.memory_space<hbm>>
    tpu.wait_dma2 semaphore(%arg25 : memref<!tpu.dma_semaphore, #tpu.memory_space<semaphore_mem>>) src(%arg12 : memref<128x128xf32, #tpu.memory_space<vmem>>) dst(%dma_wait3A_161 : memref<128x128xf32, #tpu.memory_space<hbm>>)
    %dma_start3A_162 = arith.constant 384 : i32
    %dma_start3A_163 = tpu.memref_slice %arg10[%dma_start3A_162] : memref<512xi32, #tpu.memory_space<vmem>> -> memref<128xi32, #tpu.memory_space<vmem>>
    %dma_start3A_164 = arith.constant 0 : i32
    %dma_start3A_165 = arith.constant 0 : i32
    %dma_start3A_166 = tpu.memref_slice %arg5[%dma_start3A_164, %dma_start3A_165] : memref<100000x128xf32, #tpu.memory_space<hbm>> -> memref<100000x128xf32, #tpu.memory_space<hbm>>
    tpu.enqueue_indirect_dma source(%dma_start3A_166 : memref<100000x128xf32, #tpu.memory_space<hbm>>) target(%arg12 : memref<128x128xf32, #tpu.memory_space<vmem>>) offsets(%dma_start3A_163 : memref<128xi32, #tpu.memory_space<vmem>>) semaphore(%arg19 : memref<!tpu.dma_semaphore, #tpu.memory_space<semaphore_mem>>)
    %dma_wait3A_167 = arith.constant 256 : i32
    %dma_wait3A_168 = tpu.memref_slice %arg9[%dma_wait3A_167] : memref<512xi32, #tpu.memory_space<vmem>> -> memref<128xi32, #tpu.memory_space<vmem>>
    %dma_wait3A_169 = arith.constant 0 : i32
    %dma_wait3A_170 = arith.constant 0 : i32
    %dma_wait3A_171 = tpu.memref_slice %arg5[%dma_wait3A_169, %dma_wait3A_170] : memref<100000x128xf32, #tpu.memory_space<hbm>> -> memref<100000x128xf32, #tpu.memory_space<hbm>>
    tpu.wait_indirect_dma semaphore(%arg20 : memref<!tpu.dma_semaphore, #tpu.memory_space<semaphore_mem>>) src(%dma_wait3A_171 : memref<100000x128xf32, #tpu.memory_space<hbm>>) dst(%arg13 : memref<128x128xf32, #tpu.memory_space<vmem>>)
    %add3A_172 = arith.constant 256 : i32
    %add3A_173 = arith.addi %mul3A_2, %add3A_172 : i32
    %dma_start3A_174 = arith.constant 0 : i32
    %dma_start3A_175 = tpu.memref_slice %arg6[%add3A_173, %dma_start3A_174] : memref<16384x128xf32, #tpu.memory_space<hbm>> -> memref<128x128xf32, #tpu.memory_space<hbm>>
    %dma_start3A_176 = arith.constant 0 : i32
    %dma_start3A_177 = tpu.memref_slice %arg6[%add3A_173, %dma_start3A_176] : memref<16384x128xf32, #tpu.memory_space<hbm>> -> memref<128x128xf32, #tpu.memory_space<hbm>>
    tpu.enqueue_dma source(%arg13 : memref<128x128xf32, #tpu.memory_space<vmem>>) target(%dma_start3A_177 : memref<128x128xf32, #tpu.memory_space<hbm>>) target_semaphore(%arg26 : memref<!tpu.dma_semaphore, #tpu.memory_space<semaphore_mem>>)
    %dma_wait3A_178 = arith.constant 384 : i32
    %dma_wait3A_179 = tpu.memref_slice %arg9[%dma_wait3A_178] : memref<512xi32, #tpu.memory_space<vmem>> -> memref<128xi32, #tpu.memory_space<vmem>>
    %dma_wait3A_180 = arith.constant 0 : i32
    %dma_wait3A_181 = arith.constant 0 : i32
    %dma_wait3A_182 = tpu.memref_slice %arg5[%dma_wait3A_180, %dma_wait3A_181] : memref<100000x128xf32, #tpu.memory_space<hbm>> -> memref<100000x128xf32, #tpu.memory_space<hbm>>
    tpu.wait_indirect_dma semaphore(%arg21 : memref<!tpu.dma_semaphore, #tpu.memory_space<semaphore_mem>>) src(%dma_wait3A_182 : memref<100000x128xf32, #tpu.memory_space<hbm>>) dst(%arg14 : memref<128x128xf32, #tpu.memory_space<vmem>>)
    %add3A_183 = arith.constant 384 : i32
    %add3A_184 = arith.addi %mul3A_2, %add3A_183 : i32
    %dma_start3A_185 = arith.constant 0 : i32
    %dma_start3A_186 = tpu.memref_slice %arg6[%add3A_184, %dma_start3A_185] : memref<16384x128xf32, #tpu.memory_space<hbm>> -> memref<128x128xf32, #tpu.memory_space<hbm>>
    %dma_start3A_187 = arith.constant 0 : i32
    %dma_start3A_188 = tpu.memref_slice %arg6[%add3A_184, %dma_start3A_187] : memref<16384x128xf32, #tpu.memory_space<hbm>> -> memref<128x128xf32, #tpu.memory_space<hbm>>
    tpu.enqueue_dma source(%arg14 : memref<128x128xf32, #tpu.memory_space<vmem>>) target(%dma_start3A_188 : memref<128x128xf32, #tpu.memory_space<hbm>>) target_semaphore(%arg27 : memref<!tpu.dma_semaphore, #tpu.memory_space<semaphore_mem>>)
    %dma_wait3A_189 = arith.constant 0 : i32
    %dma_wait3A_190 = tpu.memref_slice %arg10[%dma_wait3A_189] : memref<512xi32, #tpu.memory_space<vmem>> -> memref<128xi32, #tpu.memory_space<vmem>>
    %dma_wait3A_191 = arith.constant 0 : i32
    %dma_wait3A_192 = arith.constant 0 : i32
    %dma_wait3A_193 = tpu.memref_slice %arg5[%dma_wait3A_191, %dma_wait3A_192] : memref<100000x128xf32, #tpu.memory_space<hbm>> -> memref<100000x128xf32, #tpu.memory_space<hbm>>
    tpu.wait_indirect_dma semaphore(%arg22 : memref<!tpu.dma_semaphore, #tpu.memory_space<semaphore_mem>>) src(%dma_wait3A_193 : memref<100000x128xf32, #tpu.memory_space<hbm>>) dst(%arg15 : memref<128x128xf32, #tpu.memory_space<vmem>>)
    %add3A_194 = arith.constant 0 : i32
    %add3A_195 = arith.addi %mul3A_2, %add3A_194 : i32
    %dma_start3A_196 = arith.constant 0 : i32
    %dma_start3A_197 = tpu.memref_slice %arg7[%add3A_195, %dma_start3A_196] : memref<16384x128xf32, #tpu.memory_space<hbm>> -> memref<128x128xf32, #tpu.memory_space<hbm>>
    %dma_start3A_198 = arith.constant 0 : i32
    %dma_start3A_199 = tpu.memref_slice %arg7[%add3A_195, %dma_start3A_198] : memref<16384x128xf32, #tpu.memory_space<hbm>> -> memref<128x128xf32, #tpu.memory_space<hbm>>
    tpu.enqueue_dma source(%arg15 : memref<128x128xf32, #tpu.memory_space<vmem>>) target(%dma_start3A_199 : memref<128x128xf32, #tpu.memory_space<hbm>>) target_semaphore(%arg28 : memref<!tpu.dma_semaphore, #tpu.memory_space<semaphore_mem>>)
    %dma_wait3A_200 = arith.constant 128 : i32
    %dma_wait3A_201 = tpu.memref_slice %arg10[%dma_wait3A_200] : memref<512xi32, #tpu.memory_space<vmem>> -> memref<128xi32, #tpu.memory_space<vmem>>
    %dma_wait3A_202 = arith.constant 0 : i32
    %dma_wait3A_203 = arith.constant 0 : i32
    %dma_wait3A_204 = tpu.memref_slice %arg5[%dma_wait3A_202, %dma_wait3A_203] : memref<100000x128xf32, #tpu.memory_space<hbm>> -> memref<100000x128xf32, #tpu.memory_space<hbm>>
    tpu.wait_indirect_dma semaphore(%arg23 : memref<!tpu.dma_semaphore, #tpu.memory_space<semaphore_mem>>) src(%dma_wait3A_204 : memref<100000x128xf32, #tpu.memory_space<hbm>>) dst(%arg16 : memref<128x128xf32, #tpu.memory_space<vmem>>)
    %add3A_205 = arith.constant 128 : i32
    %add3A_206 = arith.addi %mul3A_2, %add3A_205 : i32
    %dma_start3A_207 = arith.constant 0 : i32
    %dma_start3A_208 = tpu.memref_slice %arg7[%add3A_206, %dma_start3A_207] : memref<16384x128xf32, #tpu.memory_space<hbm>> -> memref<128x128xf32, #tpu.memory_space<hbm>>
    %dma_start3A_209 = arith.constant 0 : i32
    %dma_start3A_210 = tpu.memref_slice %arg7[%add3A_206, %dma_start3A_209] : memref<16384x128xf32, #tpu.memory_space<hbm>> -> memref<128x128xf32, #tpu.memory_space<hbm>>
    tpu.enqueue_dma source(%arg16 : memref<128x128xf32, #tpu.memory_space<vmem>>) target(%dma_start3A_210 : memref<128x128xf32, #tpu.memory_space<hbm>>) target_semaphore(%arg29 : memref<!tpu.dma_semaphore, #tpu.memory_space<semaphore_mem>>)
    %dma_wait3A_211 = arith.constant 256 : i32
    %dma_wait3A_212 = tpu.memref_slice %arg10[%dma_wait3A_211] : memref<512xi32, #tpu.memory_space<vmem>> -> memref<128xi32, #tpu.memory_space<vmem>>
    %dma_wait3A_213 = arith.constant 0 : i32
    %dma_wait3A_214 = arith.constant 0 : i32
    %dma_wait3A_215 = tpu.memref_slice %arg5[%dma_wait3A_213, %dma_wait3A_214] : memref<100000x128xf32, #tpu.memory_space<hbm>> -> memref<100000x128xf32, #tpu.memory_space<hbm>>
    tpu.wait_indirect_dma semaphore(%arg18 : memref<!tpu.dma_semaphore, #tpu.memory_space<semaphore_mem>>) src(%dma_wait3A_215 : memref<100000x128xf32, #tpu.memory_space<hbm>>) dst(%arg11 : memref<128x128xf32, #tpu.memory_space<vmem>>)
    %add3A_216 = arith.constant 256 : i32
    %add3A_217 = arith.addi %mul3A_2, %add3A_216 : i32
    %dma_start3A_218 = arith.constant 0 : i32
    %dma_start3A_219 = tpu.memref_slice %arg7[%add3A_217, %dma_start3A_218] : memref<16384x128xf32, #tpu.memory_space<hbm>> -> memref<128x128xf32, #tpu.memory_space<hbm>>
    %dma_start3A_220 = arith.constant 0 : i32
    %dma_start3A_221 = tpu.memref_slice %arg7[%add3A_217, %dma_start3A_220] : memref<16384x128xf32, #tpu.memory_space<hbm>> -> memref<128x128xf32, #tpu.memory_space<hbm>>
    tpu.enqueue_dma source(%arg11 : memref<128x128xf32, #tpu.memory_space<vmem>>) target(%dma_start3A_221 : memref<128x128xf32, #tpu.memory_space<hbm>>) target_semaphore(%arg24 : memref<!tpu.dma_semaphore, #tpu.memory_space<semaphore_mem>>)
    %dma_wait3A_222 = arith.constant 384 : i32
    %dma_wait3A_223 = tpu.memref_slice %arg10[%dma_wait3A_222] : memref<512xi32, #tpu.memory_space<vmem>> -> memref<128xi32, #tpu.memory_space<vmem>>
    %dma_wait3A_224 = arith.constant 0 : i32
    %dma_wait3A_225 = arith.constant 0 : i32
    %dma_wait3A_226 = tpu.memref_slice %arg5[%dma_wait3A_224, %dma_wait3A_225] : memref<100000x128xf32, #tpu.memory_space<hbm>> -> memref<100000x128xf32, #tpu.memory_space<hbm>>
    tpu.wait_indirect_dma semaphore(%arg19 : memref<!tpu.dma_semaphore, #tpu.memory_space<semaphore_mem>>) src(%dma_wait3A_226 : memref<100000x128xf32, #tpu.memory_space<hbm>>) dst(%arg12 : memref<128x128xf32, #tpu.memory_space<vmem>>)
    %add3A_227 = arith.constant 384 : i32
    %add3A_228 = arith.addi %mul3A_2, %add3A_227 : i32
    %dma_start3A_229 = arith.constant 0 : i32
    %dma_start3A_230 = tpu.memref_slice %arg7[%add3A_228, %dma_start3A_229] : memref<16384x128xf32, #tpu.memory_space<hbm>> -> memref<128x128xf32, #tpu.memory_space<hbm>>
    %dma_start3A_231 = arith.constant 0 : i32
    %dma_start3A_232 = tpu.memref_slice %arg7[%add3A_228, %dma_start3A_231] : memref<16384x128xf32, #tpu.memory_space<hbm>> -> memref<128x128xf32, #tpu.memory_space<hbm>>
    tpu.enqueue_dma source(%arg12 : memref<128x128xf32, #tpu.memory_space<vmem>>) target(%dma_start3A_232 : memref<128x128xf32, #tpu.memory_space<hbm>>) target_semaphore(%arg25 : memref<!tpu.dma_semaphore, #tpu.memory_space<semaphore_mem>>)
    %dma_wait3A_233 = arith.constant 0 : i32
    %dma_wait3A_234 = tpu.memref_slice %arg6[%add3A_173, %dma_wait3A_233] : memref<16384x128xf32, #tpu.memory_space<hbm>> -> memref<128x128xf32, #tpu.memory_space<hbm>>
    %dma_wait3A_235 = arith.constant 0 : i32
    %dma_wait3A_236 = tpu.memref_slice %arg6[%add3A_173, %dma_wait3A_235] : memref<16384x128xf32, #tpu.memory_space<hbm>> -> memref<128x128xf32, #tpu.memory_space<hbm>>
    tpu.wait_dma2 semaphore(%arg26 : memref<!tpu.dma_semaphore, #tpu.memory_space<semaphore_mem>>) src(%arg13 : memref<128x128xf32, #tpu.memory_space<vmem>>) dst(%dma_wait3A_236 : memref<128x128xf32, #tpu.memory_space<hbm>>)
    %dma_wait3A_237 = arith.constant 0 : i32
    %dma_wait3A_238 = tpu.memref_slice %arg6[%add3A_184, %dma_wait3A_237] : memref<16384x128xf32, #tpu.memory_space<hbm>> -> memref<128x128xf32, #tpu.memory_space<hbm>>
    %dma_wait3A_239 = arith.constant 0 : i32
    %dma_wait3A_240 = tpu.memref_slice %arg6[%add3A_184, %dma_wait3A_239] : memref<16384x128xf32, #tpu.memory_space<hbm>> -> memref<128x128xf32, #tpu.memory_space<hbm>>
    tpu.wait_dma2 semaphore(%arg27 : memref<!tpu.dma_semaphore, #tpu.memory_space<semaphore_mem>>) src(%arg14 : memref<128x128xf32, #tpu.memory_space<vmem>>) dst(%dma_wait3A_240 : memref<128x128xf32, #tpu.memory_space<hbm>>)
    %dma_wait3A_241 = arith.constant 0 : i32
    %dma_wait3A_242 = tpu.memref_slice %arg7[%add3A_195, %dma_wait3A_241] : memref<16384x128xf32, #tpu.memory_space<hbm>> -> memref<128x128xf32, #tpu.memory_space<hbm>>
    %dma_wait3A_243 = arith.constant 0 : i32
    %dma_wait3A_244 = tpu.memref_slice %arg7[%add3A_195, %dma_wait3A_243] : memref<16384x128xf32, #tpu.memory_space<hbm>> -> memref<128x128xf32, #tpu.memory_space<hbm>>
    tpu.wait_dma2 semaphore(%arg28 : memref<!tpu.dma_semaphore, #tpu.memory_space<semaphore_mem>>) src(%arg15 : memref<128x128xf32, #tpu.memory_space<vmem>>) dst(%dma_wait3A_244 : memref<128x128xf32, #tpu.memory_space<hbm>>)
    %dma_wait3A_245 = arith.constant 0 : i32
    %dma_wait3A_246 = tpu.memref_slice %arg7[%add3A_206, %dma_wait3A_245] : memref<16384x128xf32, #tpu.memory_space<hbm>> -> memref<128x128xf32, #tpu.memory_space<hbm>>
    %dma_wait3A_247 = arith.constant 0 : i32
    %dma_wait3A_248 = tpu.memref_slice %arg7[%add3A_206, %dma_wait3A_247] : memref<16384x128xf32, #tpu.memory_space<hbm>> -> memref<128x128xf32, #tpu.memory_space<hbm>>
    tpu.wait_dma2 semaphore(%arg29 : memref<!tpu.dma_semaphore, #tpu.memory_space<semaphore_mem>>) src(%arg16 : memref<128x128xf32, #tpu.memory_space<vmem>>) dst(%dma_wait3A_248 : memref<128x128xf32, #tpu.memory_space<hbm>>)
    %dma_wait3A_249 = arith.constant 0 : i32
    %dma_wait3A_250 = tpu.memref_slice %arg7[%add3A_217, %dma_wait3A_249] : memref<16384x128xf32, #tpu.memory_space<hbm>> -> memref<128x128xf32, #tpu.memory_space<hbm>>
    %dma_wait3A_251 = arith.constant 0 : i32
    %dma_wait3A_252 = tpu.memref_slice %arg7[%add3A_217, %dma_wait3A_251] : memref<16384x128xf32, #tpu.memory_space<hbm>> -> memref<128x128xf32, #tpu.memory_space<hbm>>
    tpu.wait_dma2 semaphore(%arg24 : memref<!tpu.dma_semaphore, #tpu.memory_space<semaphore_mem>>) src(%arg11 : memref<128x128xf32, #tpu.memory_space<vmem>>) dst(%dma_wait3A_252 : memref<128x128xf32, #tpu.memory_space<hbm>>)
    %dma_wait3A_253 = arith.constant 0 : i32
    %dma_wait3A_254 = tpu.memref_slice %arg7[%add3A_228, %dma_wait3A_253] : memref<16384x128xf32, #tpu.memory_space<hbm>> -> memref<128x128xf32, #tpu.memory_space<hbm>>
    %dma_wait3A_255 = arith.constant 0 : i32
    %dma_wait3A_256 = tpu.memref_slice %arg7[%add3A_228, %dma_wait3A_255] : memref<16384x128xf32, #tpu.memory_space<hbm>> -> memref<128x128xf32, #tpu.memory_space<hbm>>
    tpu.wait_dma2 semaphore(%arg25 : memref<!tpu.dma_semaphore, #tpu.memory_space<semaphore_mem>>) src(%arg12 : memref<128x128xf32, #tpu.memory_space<vmem>>) dst(%dma_wait3A_256 : memref<128x128xf32, #tpu.memory_space<hbm>>)
    return
  }
}

module attributes {stable_mosaic.version = 14 : i64} {
  func.func @_split_body(%arg0: i32, %arg1: memref<16384x2xi32, #tpu.memory_space<vmem>>, %arg2: memref<1048576xi32, #tpu.memory_space<vmem>>, %arg3: memref<1048576xi32, #tpu.memory_space<vmem>>) attributes {dimension_semantics = [#tpu.dimension_semantics<arbitrary>], iteration_bounds = array<i64: 62>, scalar_prefetch = 0 : i64, scratch_operands = 0 : i64, tpu.core_type = #tpu.core_type<tc>, window_params = [{transform_indices = @transform_0, window_bounds = array<i64: 16384, 2>}, {pipeline_mode = #tpu.pipeline_mode<synchronous>, transform_indices = @transform_1, window_bounds = array<i64: 1048576>}, {pipeline_mode = #tpu.pipeline_mode<synchronous>, transform_indices = @transform_2, window_bounds = array<i64: 1048576>}]} {
    %get3A = arith.constant 0 : index
    %get3A_0 = arith.constant 0 : index
    %get3A_1 = vector.load %arg1[%get3A, %get3A_0] : memref<16384x2xi32, #tpu.memory_space<vmem>>, vector<16384x1xi32>
    %get3A_2 = vector.shape_cast %get3A_1 : vector<16384x1xi32> to vector<16384xi32>
    %mul3A = arith.constant 16384 : i32
    %mul3A_3 = arith.muli %arg0, %mul3A : i32
    %swap3A = arith.index_cast %mul3A_3 : i32 to index
    %swap3A_4 = vector.load %arg2[%swap3A] : memref<1048576xi32, #tpu.memory_space<vmem>>, vector<16384xi32>
    tpu.vector_store %arg2[%swap3A], %get3A_2 {strides = array<i32>} : memref<1048576xi32, #tpu.memory_space<vmem>>, vector<16384xi32>,
    %get3A_5 = arith.constant 0 : index
    %get3A_6 = arith.constant 1 : index
    %get3A_7 = vector.load %arg1[%get3A_5, %get3A_6] : memref<16384x2xi32, #tpu.memory_space<vmem>>, vector<16384x1xi32>
    %get3A_8 = vector.shape_cast %get3A_7 : vector<16384x1xi32> to vector<16384xi32>
    %mul3A_9 = arith.constant 16384 : i32
    %mul3A_10 = arith.muli %arg0, %mul3A_9 : i32
    %swap3A_11 = arith.index_cast %mul3A_10 : i32 to index
    %swap3A_12 = vector.load %arg3[%swap3A_11] : memref<1048576xi32, #tpu.memory_space<vmem>>, vector<16384xi32>
    tpu.vector_store %arg3[%swap3A_11], %get3A_8 {strides = array<i32>} : memref<1048576xi32, #tpu.memory_space<vmem>>, vector<16384xi32>,
    return
  }
  func.func @transform_0(%arg0: i32) -> (i32, i32) {
    %c0_i32 = arith.constant 0 : i32
    %c0_i32_0 = arith.constant 0 : i32
    return %arg0, %c0_i32 : i32, i32
  }
  func.func @transform_1(%arg0: i32) -> i32 {
    %c0_i32 = arith.constant 0 : i32
    %c0_i32_0 = arith.constant 0 : i32
    return %c0_i32 : i32
  }
  func.func @transform_2(%arg0: i32) -> i32 {
    %c0_i32 = arith.constant 0 : i32
    %c0_i32_0 = arith.constant 0 : i32
    return %c0_i32 : i32
  }
}

</mosaic_0001>

<sc_bundles>
// kernel: kernel.4.cloned.1.call-start
scs
__scs_entry_jumppad:
0x0: {  	(pc) =	sbr.rel $0x88, $3  }
0x1: {  	(tag) =	ssettag $0x0;
	lr =	simm.s32 $0x1  }
0x2: {  	[smem:$0x3F9E] =	sst lr;
	_ =	strace $0xD0000000  }
0x3: {  	_ = 	snop  }
0x4: {  	_ = 	snop  }
0x5: {  	_ = 	snop  }
0x6: {  	_ = 	snop  }
0x7: {  	_ = 	snop  }
__scs_overlays_trampoline_lowered:
0x8: {  	[smem:$0x3FAD] =	sst s0  }
0x9: {  	[smem:$0x3FAE] =	sst s1  }
0xa: {  	[smem:$0x3FAF] =	sst s2  }
0xb: {  	[smem:$0x3FB0] =	sst s3  }
0xc: {  	[smem:$0x3FB1] =	sst s4  }
0xd: {  	[smem:$0x3FB2] =	sst s5  }
0xe: {  	[smem:$0x3FB3] =	sst s6  }
0xf: {  	[smem:$0x3FB4] =	sst s7  }
0x10: {  	[smem:$0x3FB5] =	sst s8  }
0x11: {  	[smem:$0x3FB6] =	sst s9;
	s0 =	simm.s32 @!p0 $0x0  }
0x12: {  	s1 =	sld [smem:$0x3F9C];
	s0 =	simm.s32 @p0 $0x1  }
0x13: {  	[smem:$0x3FB7] =	sst s0;
	s0 =	simm.s32 @!p1 $0x0  }
0x14: {  	s2 =	sld [smem:$0x3F9B];
	s0 =	simm.s32 @p1 $0x1  }
0x15: {  	[smem:$0x3FB8] =	sst s0;
	s0 =	simm.s32 @!p2 $0x0  }
0x16: {  	s3 =	sld [smem:$0x3FDB];
	s0 =	simm.s32 @p2 $0x1  }
0x17: {  	s4 =	simm.s32 $0x1BF5;
	[smem:$0x3FBA] =	sst s0  }
0x18: {  	s0 =	sld [smem:$0x3F9D];
	_ =	swait.ge [sflag:s4], $0x0  }
0x19: {  	s7 =	sld [smem:$0x3F9E]  }
0x1a: {  	s8 =	sadd.s32 $0xFFFFE003, lr  }
0x1b: {  	s9 =	sadd.s32 $0xFFFFFEF7, lr;
	s5 =	simm.s32 $0xFFFFFFFF;
	p2 =	slt.u32 s8, $0xFFFFF086  }
0x1c: {  	p1 =	slt.u32 s9, $0xF7A;
	s5 =	simm.s32 @!p2 $0x0  }
0x1d: {  	s5 =	simm.s32 @p1 $0x1;
	p0 =	seq.s32 s7, s2  }
0x1e: {  	s7 =	smul.u32 @!p0 $0xF7A, s2;
	p2 =	seq.s32 @!p0 s5, $0x0  }
0x1f: {  	s9 =	smul.u32 $0xF7A, s1;
	s8 =	simm.s32 @!p0 $0x1BF5;
	p2 =	por !p2, p0  }
0x20: {  	[sflag:s8] =	ssyncset.s32 @!p0 $0xFFFFF086;
	s6 =	sadd.s32 @!p0 s3, s7;
	s7 =	simm.s32 @!p0 $0x108  }
0x21: {  	s3 =	sadd.s32 s3, s9;
	s6 =	sadd.s32 @!p0 $0x88, s6;
	s7 =	simm.s32 @p2 $0x1082  }
0x22: {  	[simem:s7], [sflag:s8] =	dma.local @!p0 [hbm:s6], $0xF7A  }
0x23: {  	s9 =	sor.u32 $0xD0000000, s2;
	s6 =	simm.s32 $0x108;
	_ =	swait.ge @!p0 [sflag:s8], $0x0  }
0x24: {  	s3 =	sadd.s32 $0x88, s3;
	s6 =	simm.s32 @!p1 $0x1082;
	[sflag:s4] =	ssyncset.s32 $0xFFFFF086  }
0x25: {  	[simem:s6], [sflag:s4] =	dma.local [hbm:s3], $0xF7A  }
0x26: {  	[smem:$0x3F9E] =	sst s1;
	(tag) =	ssettag s2;
	_ =	strace s9  }
0x27: {  	s1 =	sld [smem:$0x3FAE]  }
0x28: {  	s2 =	sld [smem:$0x3FAF]  }
0x29: {  	s4 =	sld [smem:$0x3FB1]  }
0x2a: {  	p0 =	seq.s32 s5, $0x0;
	s5 =	sld [smem:$0x3FB2]  }
0x2b: {  	s6 =	sld [smem:$0x3FB3]  }
0x2c: {  	s7 =	sld [smem:$0x3FB4]  }
0x2d: {  	s3 =	simm.s32 $0x108;
	s8 =	sld [smem:$0x3FB5]  }
0x2e: {  	s3 =	simm.s32 @!p0 $0x1082;
	s9 =	sld [smem:$0x3FB6]  }
0x2f: {  	lr =	sadd.s32 s0, s3;
	s0 =	sld [smem:$0x3FAD]  }
0x30: {  	s3 =	sld [smem:$0x3FB0]  }
0x31: {  	[smem:$0x3FB9] =	sst s10  }
0x32: {  	s10 =	sld [smem:$0x3FB7];
	_ =	sdelay $0x3  }
0x33: {  	p0 =	seq.s32 s10, $0x1;
	s10 =	sld [smem:$0x3FB9];
	_ =	sdelay $0x3  }
0x34: {  	[smem:$0x3FB9] =	sst s10  }
0x35: {  	s10 =	sld [smem:$0x3FB8];
	_ =	sdelay $0x3  }
0x36: {  	p1 =	seq.s32 s10, $0x1;
	s10 =	sld [smem:$0x3FB9];
	_ =	sdelay $0x3  }
0x37: {  	[smem:$0x3FB9] =	sst s10  }
0x38: {  	s10 =	sld [smem:$0x3FBA]  }
0x39: {  	_ = 	snop;
	(pc) =	sbr.ind lr, $3  }
0x3a: {  	_ = 	snop  }
0x3b: {  	_ = 	snop  }
0x3c: {  	p2 =	seq.s32 s10, $0x1;
	s10 =	sld [smem:$0x3FB9]  }
0x3d: {  	_ =	shalt  }
0x3e: {  	_ =	shalt  }
0x3f: {  	_ =	shalt  }
0x40: {  	_ =	shalt  }
0x41: {  	_ =	shalt  }
0x42: {  	_ =	shalt  }
0x43: {  	_ =	shalt  }
0x44: {  	_ =	shalt  }
0x45: {  	_ =	shalt  }
0x46: {  	_ =	shalt  }
0x47: {  	_ =	shalt  }
0x48: {  	_ =	shalt  }
0x49: {  	_ =	shalt  }
0x4a: {  	_ =	shalt  }
0x4b: {  	_ =	shalt  }
0x4c: {  	_ =	shalt  }
0x4d: {  	_ =	shalt  }
0x4e: {  	_ =	shalt  }
0x4f: {  	_ =	shalt  }
0x50: {  	_ =	shalt  }
0x51: {  	_ =	shalt  }
0x52: {  	_ =	shalt  }
0x53: {  	_ =	shalt  }
0x54: {  	_ =	shalt  }
0x55: {  	_ =	shalt  }
0x56: {  	_ =	shalt  }
0x57: {  	_ =	shalt  }
0x58: {  	_ =	shalt  }
0x59: {  	_ =	shalt  }
0x5a: {  	_ =	shalt  }
0x5b: {  	_ =	shalt  }
0x5c: {  	_ =	shalt  }
0x5d: {  	_ =	shalt  }
0x5e: {  	_ =	shalt  }
0x5f: {  	_ =	shalt  }
0x60: {  	_ =	shalt  }
0x61: {  	_ =	shalt  }
0x62: {  	_ =	shalt  }
0x63: {  	_ =	shalt  }
0x64: {  	_ =	shalt  }
0x65: {  	_ =	shalt  }
0x66: {  	_ =	shalt  }
0x67: {  	_ =	shalt  }
0x68: {  	_ =	shalt  }
0x69: {  	_ =	shalt  }
0x6a: {  	_ =	shalt  }
0x6b: {  	_ =	shalt  }
0x6c: {  	_ =	shalt  }
0x6d: {  	_ =	shalt  }
0x6e: {  	_ =	shalt  }
0x6f: {  	_ =	shalt  }
0x70: {  	_ =	shalt  }
0x71: {  	_ =	shalt  }
0x72: {  	_ =	shalt  }
0x73: {  	_ =	shalt  }
0x74: {  	_ =	shalt  }
0x75: {  	_ =	shalt  }
0x76: {  	_ =	shalt  }
0x77: {  	_ =	shalt  }
0x78: {  	_ =	shalt  }
0x79: {  	_ =	shalt  }
0x7a: {  	_ =	shalt  }
0x7b: {  	_ =	shalt  }
0x7c: {  	_ =	shalt  }
0x7d: {  	_ =	shalt  }
0x7e: {  	_ =	shalt  }
0x7f: {  	_ =	shalt  }
0x80: {  	_ =	shalt  }
0x81: {  	_ =	shalt  }
0x82: {  	_ =	shalt  }
0x83: {  	_ =	shalt  }
0x84: {  	_ =	shalt  }
0x85: {  	_ =	shalt  }
0x86: {  	_ =	shalt  }
0x87: {  	_ =	shalt  }
.Lfunc_end0:
.L_simem_size_0:
called_computation_lowered:
.L_overlay_start_0:
0x88: {  	s2 =	sld [smem:$0x3FD9]  }
0x89: {  	s3 =	sld [smem:$0x3FFE];
	_ =	sdelay $0x1  }
0x8a: {  	s1 =	srdreg.scid  }
0x8b: {  	s0 =	sand.u32 $0x1, s1  }
0x8c: {  	s14 =	sshll.u32 s0, $0xA;
	s2 =	sadd.s32 s3, s2  }
0x8d: {  	s2 =	sadd.s32 s2, s14  }
0x8e: {  	[smem:$0x3FC5] =	sst s2  }
0x8f: {  	_ = 	snop  }
0x90: {  	s2 =	sld [smem:$0x3FD0];
	_ =	sdelay $0x1  }
0x91: {  	s15 =	sld [smem:$0x3FC9]  }
0x92: {  	s5 =	simm.s32 $0xA;
	s6 =	simm.s32 $0x10;
	s4 =	sld [smem:$0x3FC7]  }
0x93: {  	[smem:s6], [sflag:s5] =	dma.local [hbm:s2], $0x1  }
0x94: {  	_ =	swait.eq [sflag:s5], $0x1  }
0x95: {  	[sflag:s5] =	ssyncset.done $0x0  }
0x96: {  	s16 =	sld [smem:$0x10];
	[sflag:s5] =	ssyncadd.s32 $0xFFFFFFFF  }
0x97: {  	s17 =	sld [smem:$0x11];
	(tm) =	ssettm $0x1  }
0x98: {  	s18 =	sld [smem:$0x3FFB];
	_ =	sdelay $0x3  }
0x99: {  	_ =	strace s18  }
0x9a: {  	s6 =	sld [smem:$0x3FFC];
	_ =	sdelay $0x3  }
0x9b: {  	_ =	strace s6  }
0x9c: {  	s6 =	sld [smem:$0x3FFD];
	_ =	sdelay $0x3  }
0x9d: {  	_ =	strace s6  }
0x9e: {  	_ =	strace $0x8FFFFFFF  }
0x9f: {  	s19 =	sld [smem:$0x3FDB];
	_ =	sdelay $0x1  }
0xa0: {  	s7 =	simm.s32 $_scs_section_size  }
0xa1: {  	s8 =	simm.s32 $_size__tile_overlayer_lowered;
	s9 =	simm.s32 $_tile_overlayer_lowered  }
0xa2: {  	s22 =	simm.s32 $0x1BFF;
	s21 =	sshll.u32 s9, $0x1;
	s6 =	sadd.s32 s7, s19  }
0xa3: {  	s10 =	simm.s32 $0x0;
	s20 =	sshll.u32 s8, $0x1;
	s8 =	sadd.s32 s21, s6  }
0xa4: {  	[timem:s10], [sflag:s22] =	dma.local [hbm:s8], s20  }
0xa5: {  	_ =	swait.ge [sflag:s22], s20  }
0xa6: {  	s7 =	ssub.s32 $0x0, s20;
	[sflag:s22] =	ssyncset.done $0x0  }
0xa7: {  	[sflag:s22] =	ssyncadd.s32 s7;
	_ =	sdelay $0x1  }
0xa8: {  	s23 =	simm.s32 $0x1B8B  }
0xa9: {  	_ =	swait.ge [sflag:s23], $0x1  }
0xaa: {  	[sflag:s23] =	ssyncset.done $0x0  }
0xab: {  	s25 =	simm.s32 $0x1B8E;
	s24 =	sld [smem:$0x3FFE];
	[sflag:s23] =	ssyncadd.s32 $0xFFFFFFFF  }
0xac: {  	s26 =	simm.s32 $execute0_lowered;
	[smem:$0x3FD2] =	sst s25  }
0xad: {  	s8 =	sshll.u32 s26, $0x1;
	_ =	strace $0x80000046;
	[dreg:$0x1] =	wrdreg $0xFFFFFFFF  }
0xae: {  	s28 =	simm.s32 $_size_execute0_lowered;
	s6 =	sadd.s32 s6, s8;
	[dreg:$0x0] =	wrdreg $0x0  }
0xaf: {  	s8 =	sshll.u32 s28, $0x1;
	[dreg:$0x2] =	wrdreg s6  }
0xb0: {  	[dreg:$0x3] =	wrdreg s8  }
0xb1: {  	[dreg:$0x4] =	wrdreg $0xC0  }
0xb2: {  	_ =	task [dreg:s10], $0x5FFFF  }
0xb3: {  	[dreg:$0x1] =	wrdreg $0xFFFFFFFF  }
0xb4: {  	[dreg:$0x0] =	wrdreg $0x60  }
0xb5: {  	[dreg:$0x2] =	wrdreg s15  }
0xb6: {  	[dreg:$0x3] =	wrdreg s24  }
0xb7: {  	[dreg:$0x4] =	wrdreg s4  }
0xb8: {  	[dreg:$0x5] =	wrdreg s16  }
0xb9: {  	[dreg:$0x6] =	wrdreg s17  }
0xba: {  	[dreg:$0x7] =	wrdreg $0x9  }
0xbb: {  	_ =	task.clear_ibuf [dreg:s10], $0x8FFFF;
	_ =	strace $0x90000046  }
0xbc: {  	s29 =	simm.s32 $0x9;
	_ =	strace $0x80000048  }
0xbd: {  	_ =	swait.ge [sflag:s29], $0x1  }
0xbe: {  	[sflag:s29] =	ssyncadd.s32 $0xFFFFFFFF  }
0xbf: {  	_ =	strace $0x90000048  }
0xc0: {  	_ =	sfence  }
0xc1: {  	s30 =	sld [smem:$0x0];
	_ =	sdelay $0x2  }
0xc2: {  	s31 =	sshll.u32 s1, $0xD;
	s1 =	sshrl.u32 s1, $0x2  }
0xc3: {  	s3 =	sand.u32 $0x4000, s31;
	s1 =	sadd.s32 s1, s30  }
0xc4: {  	s0 =	sor.u32 s3, s0;
	s1 =	sshll.u32 s1, $0x11  }
0xc5: {  	s0 =	sor.u32 s1, s0  }
0xc6: {  	s0 =	sadd.s32 $0x8F2B, s0  }
0xc7: {  	[sflag:s0] =	ssyncadd.remote.s32 $0x1  }
0xc8: {  	_ =	sfence.sel $0xFFFF  }
0xc9: {  	[dreg:$0x0] =	wrdreg $0xFFFFFFFF;
	(pc) =	sbr.abs _section_cstart, $3  }
0xca: {  	[dreg:$0x1] =	wrdreg $0xFFFFFFFF  }
0xcb: {  	_ =	task.clear_ibuf [dreg:s10], $0x2FFFF;
	_ =	strace $0x9FFFFFFF  }
0xcc: {  	(tm) =	ssettm $0x7FFFFFFF  }
0xcd: {  	_ =	shalt  }
tec
execute0_lowered:
.L_overlay_start_1:
0x0: {  	(tag) =	ssettag $0x1  }
0x1: {  	s0 =	rddreg [dreg:$0x0]  }
0x2: {  	s1 =	rddreg [dreg:$0x1]  }
0x3: {  	s3 =	rddreg [dreg:$0x2];
	s2 =	srdreg.scid  }
0x4: {  	s4 =	rddreg [dreg:$0x3];
	s7 =	stileid.u32  }
0x5: {  	s6 =	rddreg [dreg:$0x4];
	s15 =	simm.s32 $0x80;
	s31 =	simm.s32 $0x480  }
0x6: {  	p0 =	por $0x0, $0x0;
	s14 =	simm.s32 $0x2;
	s12 =	simm.s32 $0xA  }
0x7: {  	s11 =	simm.s32 $0xB;
	s5 =	sand.u32 $0x1, s2;
	s7 =	sshll.u32 s7, $0xA  }
0x8: {  	s2 =	simm.s32 $0x0;
	s13 =	sadd.s32 $0x20C00, s1;
	s8 =	sshll.u32 s5, $0x9  }
0x9: {  	[smem:$0x7FF] =	sst s2;
	s5 =	ssub.s32 $0x2, s5;
	s7 =	sor.u32 s8, s7  }
0xa: {  	_ =	strace $0x80000047;
	s26 =	sshrl.u32 s5, $0x1;
	s8 =	sshrl.u32 s7, $0x3  }
0xb: {  	s7 =	sshll.u32 s7, $0x4;
	s29 =	ssub.s32 s5, s26;
	s5 =	simm.s32 $0x8  }
0xc: {  	s0 =	sadd.s32 s0, s8;
	s18 =	sadd.s32 s4, s7;
	s19 =	sor.u32 $0x800, s7  }
0xd: {  	s9 =	sor.u32 $0x1000, s7;
	s10 =	sor.u32 $0x1800, s7;
	s23 =	sadd.s32 s6, s7  }
0xe: {  	s30 =	smax.u32 s29, $0x1;
	s7 =	simm.s32 $0x600;
	[dreg:$0x6] =	wrdreg s0  }
0xf: {  	s8 =	simm.s32 $0xD;
	[dreg:$0x7] =	wrdreg s18;
	s20 =	sadd.s32 s4, s19  }
0x10: {  	s21 =	sadd.s32 s4, s9;
	s22 =	sadd.s32 s4, s10;
	s0 =	sadd.s32 $0xC00, s1  }
0x11: {  	[dreg:$0xb] =	wrdreg s23;
	s24 =	sadd.s32 s6, s19;
	s25 =	sadd.s32 s6, s9  }
0x12: {  	s28 =	sadd.s32 s6, s10;
	s18 =	simm.s32 $0xE;
	[dreg:$0x8] =	wrdreg s20  }
0x13: {  	s1 =	simm.s32 $0x1;
	p1 =	sne.s32 s30, $0x1;
	[dreg:$0x9] =	wrdreg s21  }
.Ltmp0:
0x14: {  	s6 =	simm.s32 $0x4600;
	[dreg:$0xa] =	wrdreg s22;
	(pc) =	sbr.rel @!p1 .LBB2_4-.Ltmp0, $4  }
0x15: {  	s26 =	sadd.s32 $0xFFFFFFFF, s30;
	s10 =	simm.s32 $0x3;
	[dreg:$0xc] =	wrdreg s24  }
0x16: {  	s4 =	simm.s32 $0x9;
	s19 =	simm.s32 $0x7;
	[dreg:$0xd] =	wrdreg s25  }
0x17: {  	s9 =	simm.s32 $0xC;
	[dreg:$0xe] =	wrdreg s28;
	s24 =	simm.s32 $0x4  }
0x18: {  	s22 =	simm.s32 $0x5;
	s21 =	simm.s32 $0x6;
	s23 =	rddreg [dreg:$0x6]  }
0x19: {  	[tilespmem:s2], [sflag:$0xE] =	stream.linear.gather [hbm4b:s23+s2], $0x200, $0x38;
	[tilespmem:$0x18600] =	vst v63  }
0x1a: {  	_ =	swait.ge [sflag:s18], $0x200  }
0x1b: {  	[sflag:s18] =	ssyncset.done $0x0  }
0x1c: {  	s23 =	simm.s32 $0x200;
	[sflag:s18] =	ssyncadd.s32 $0xFFFFFE00  }
0x1d: {  	[tilespmem:s23], [sflag:$0x1] =	stream.indirect.gather [hbm4b:s0+s15], $0x1, s2, s15, $0xb8;
	[tilespmem:$0x18600] =	vst v63  }
0x1e: {  	s17 =	simm.s32 $0x280  }
0x1f: {  	[tilespmem:s17], [sflag:$0x1] =	stream.indirect.gather [hbm4b:s0+s15], $0x1, s15, s15, $0xb8;
	[tilespmem:$0x18600] =	vst v63  }
0x20: {  	s29 =	simm.s32 $0x300;
	s20 =	simm.s32 $0x100  }
0x21: {  	[tilespmem:s29], [sflag:$0x1] =	stream.indirect.gather [hbm4b:s0+s15], $0x1, s20, s15, $0xb8;
	[tilespmem:$0x18600] =	vst v63  }
0x22: {  	s16 =	simm.s32 $0x380;
	s30 =	simm.s32 $0x180  }
0x23: {  	[tilespmem:s16], [sflag:$0x1] =	stream.indirect.gather [hbm4b:s0+s15], $0x1, s30, s15, $0xb8;
	[tilespmem:$0x18600] =	vst v63  }
0x24: {  	s28 =	simm.s32 $0x400  }
0x25: {  	[tilespmem:s28], [sflag:$0x1] =	stream.indirect.gather [hbm4b:s13+s15], $0x1, s2, s15, $0xb8;
	[tilespmem:$0x18600] =	vst v63  }
0x26: {  	_ = 	snop  }
0x27: {  	[tilespmem:s31], [sflag:$0x1] =	stream.indirect.gather [hbm4b:s13+s15], $0x1, s15, s15, $0xb8;
	[tilespmem:$0x18600] =	vst v63  }
0x28: {  	s25 =	simm.s32 $0x500  }
0x29: {  	[tilespmem:s25], [sflag:$0x1] =	stream.indirect.gather [hbm4b:s13+s15], $0x1, s20, s15, $0xb8;
	[tilespmem:$0x18600] =	vst v63  }
0x2a: {  	s20 =	simm.s32 $0x580  }
0x2b: {  	[tilespmem:s20], [sflag:$0x1] =	stream.indirect.gather [hbm4b:s13+s15], $0x1, s30, s15, $0xb8;
	[tilespmem:$0x18600] =	vst v63  }
0x2c: {  	_ =	swait.ge [sflag:s1], $0x80  }
0x2d: {  	[sflag:s1] =	ssyncset.done $0x0  }
0x2e: {  	[sflag:s1] =	ssyncadd.s32 $0xFFFFFF80  }
0x2f: {  	_ =	swait.ge [sflag:s1], $0x80  }
0x30: {  	[sflag:s1] =	ssyncset.done $0x0  }
0x31: {  	[sflag:s1] =	ssyncadd.s32 $0xFFFFFF80  }
0x32: {  	_ =	swait.ge [sflag:s1], $0x80  }
0x33: {  	[sflag:s1] =	ssyncset.done $0x0  }
0x34: {  	[sflag:s1] =	ssyncadd.s32 $0xFFFFFF80  }
0x35: {  	_ =	swait.ge [sflag:s1], $0x80  }
0x36: {  	[sflag:s1] =	ssyncset.done $0x0  }
0x37: {  	[sflag:s1] =	ssyncadd.s32 $0xFFFFFF80  }
0x38: {  	_ =	swait.ge [sflag:s1], $0x80  }
0x39: {  	[sflag:s1] =	ssyncset.done $0x0  }
0x3a: {  	[sflag:s1] =	ssyncadd.s32 $0xFFFFFF80  }
0x3b: {  	_ =	swait.ge [sflag:s1], $0x80  }
0x3c: {  	[sflag:s1] =	ssyncset.done $0x0  }
0x3d: {  	[sflag:s1] =	ssyncadd.s32 $0xFFFFFF80  }
0x3e: {  	_ =	swait.ge [sflag:s1], $0x80  }
0x3f: {  	[sflag:s1] =	ssyncset.done $0x0  }
0x40: {  	[sflag:s1] =	ssyncadd.s32 $0xFFFFFF80  }
0x41: {  	_ =	swait.ge [sflag:s1], $0x80  }
0x42: {  	[sflag:s1] =	ssyncset.done $0x0  }
0x43: {  	[sflag:s1] =	ssyncadd.s32 $0xFFFFFF80  }
0x44: {  	[tilespmem:s7], [sflag:$0x2] =	stream.indirect.gather [hbm4b:s3+s15], $0x80, s23, s15, $0xb8;
	[tilespmem:$0x18600] =	vst v63  }
0x45: {  	_ = 	snop  }
0x46: {  	[tilespmem:s6], [sflag:$0x3] =	stream.indirect.gather [hbm4b:s3+s15], $0x80, s17, s15, $0xb8;
	[tilespmem:$0x18600] =	vst v63  }
0x47: {  	s17 =	simm.s32 $0x8600  }
0x48: {  	[tilespmem:s17], [sflag:$0x4] =	stream.indirect.gather [hbm4b:s3+s15], $0x80, s29, s15, $0xb8;
	[tilespmem:$0x18600] =	vst v63  }
0x49: {  	s25 =	simm.s32 $0xC600  }
0x4a: {  	[tilespmem:s25], [sflag:$0x5] =	stream.indirect.gather [hbm4b:s3+s15], $0x80, s16, s15, $0xb8;
	[tilespmem:$0x18600] =	vst v63  }
0x4b: {  	s16 =	simm.s32 $0x10600  }
0x4c: {  	[tilespmem:s16], [sflag:$0x6] =	stream.indirect.gather [hbm4b:s3+s15], $0x80, s28, s15, $0xb8;
	[tilespmem:$0x18600] =	vst v63  }
0x4d: {  	s28 =	simm.s32 $0x14600  }
0x4e: {  	[tilespmem:s28], [sflag:$0x7] =	stream.indirect.gather [hbm4b:s3+s15], $0x80, s31, s15, $0xb8;
	[tilespmem:$0x18600] =	vst v63  }
0x4f: {  	_ =	swait.ge [sflag:s14], $0x4000  }
0x50: {  	[sflag:s14] =	ssyncset.done $0x0  }
0x51: {  	s29 =	rddreg [dreg:$0x7];
	[sflag:s14] =	ssyncadd.s32 $0xFFFFC000  }
0x52: {  	[hbm4b:s29+s2] =	stream.linear.scatter [tilespmem:s7], [sflag:$0x8], $0x4000, $0x38;
	[tilespmem:$0x18600] =	vst v63  }
0x53: {  	_ =	swait.ge [sflag:s5], $0x4000  }
0x54: {  	[sflag:s5] =	ssyncset.done $0x0  }
0x55: {  	s30 =	simm.s32 $0x500;
	[sflag:s5] =	ssyncadd.s32 $0xFFFFC000  }
0x56: {  	[tilespmem:s7], [sflag:$0x2] =	stream.indirect.gather [hbm4b:s3+s15], $0x80, s30, s15, $0xb8;
	[tilespmem:$0x18600] =	vst v63  }
0x57: {  	_ =	swait.ge [sflag:s10], $0x4000  }
0x58: {  	[sflag:s10] =	ssyncset.done $0x0  }
0x59: {  	s29 =	rddreg [dreg:$0x8];
	[sflag:s10] =	ssyncadd.s32 $0xFFFFC000  }
0x5a: {  	[hbm4b:s29+s2] =	stream.linear.scatter [tilespmem:s6], [sflag:$0x9], $0x4000, $0x38;
	[tilespmem:$0x18600] =	vst v63  }
0x5b: {  	_ =	swait.ge [sflag:s4], $0x4000  }
0x5c: {  	[sflag:s4] =	ssyncset.done $0x0  }
0x5d: {  	[sflag:s4] =	ssyncadd.s32 $0xFFFFC000  }
0x5e: {  	[tilespmem:s6], [sflag:$0x3] =	stream.indirect.gather [hbm4b:s3+s15], $0x80, s20, s15, $0xb8;
	[tilespmem:$0x18600] =	vst v63  }
0x5f: {  	_ =	swait.ge [sflag:s24], $0x4000  }
0x60: {  	[sflag:s24] =	ssyncset.done $0x0  }
0x61: {  	s30 =	rddreg [dreg:$0x9];
	[sflag:s24] =	ssyncadd.s32 $0xFFFFC000  }
0x62: {  	[hbm4b:s30+s2] =	stream.linear.scatter [tilespmem:s17], [sflag:$0xA], $0x4000, $0x38;
	[tilespmem:$0x18600] =	vst v63  }
0x63: {  	_ =	swait.ge [sflag:s22], $0x4000  }
0x64: {  	[sflag:s22] =	ssyncset.done $0x0  }
0x65: {  	s17 =	rddreg [dreg:$0xa];
	[sflag:s22] =	ssyncadd.s32 $0xFFFFC000  }
0x66: {  	[hbm4b:s17+s2] =	stream.linear.scatter [tilespmem:s25], [sflag:$0xB], $0x4000, $0x38;
	[tilespmem:$0x18600] =	vst v63  }
0x67: {  	_ =	swait.ge [sflag:s21], $0x4000  }
0x68: {  	[sflag:s21] =	ssyncset.done $0x0  }
0x69: {  	s20 =	rddreg [dreg:$0xb];
	[sflag:s21] =	ssyncadd.s32 $0xFFFFC000  }
0x6a: {  	[hbm4b:s20+s2] =	stream.linear.scatter [tilespmem:s16], [sflag:$0xC], $0x4000, $0x38;
	[tilespmem:$0x18600] =	vst v63  }
0x6b: {  	_ =	swait.ge [sflag:s19], $0x4000  }
0x6c: {  	[sflag:s19] =	ssyncset.done $0x0  }
0x6d: {  	s25 =	rddreg [dreg:$0xc];
	[sflag:s19] =	ssyncadd.s32 $0xFFFFC000  }
0x6e: {  	[hbm4b:s25+s2] =	stream.linear.scatter [tilespmem:s28], [sflag:$0xD], $0x4000, $0x38;
	[tilespmem:$0x18600] =	vst v63  }
0x6f: {  	_ =	swait.ge [sflag:s14], $0x4000  }
0x70: {  	[sflag:s14] =	ssyncset.done $0x0  }
0x71: {  	s29 =	rddreg [dreg:$0xd];
	[sflag:s14] =	ssyncadd.s32 $0xFFFFC000  }
0x72: {  	[hbm4b:s29+s2] =	stream.linear.scatter [tilespmem:s7], [sflag:$0x8], $0x4000, $0x38;
	[tilespmem:$0x18600] =	vst v63  }
0x73: {  	_ =	swait.ge [sflag:s10], $0x4000  }
0x74: {  	[sflag:s10] =	ssyncset.done $0x0  }
0x75: {  	s30 =	rddreg [dreg:$0xe];
	[sflag:s10] =	ssyncadd.s32 $0xFFFFC000  }
0x76: {  	[hbm4b:s30+s2] =	stream.linear.scatter [tilespmem:s6], [sflag:$0x9], $0x4000, $0x38;
	[tilespmem:$0x18600] =	vst v63  }
0x77: {  	_ =	swait.ge [sflag:s12], $0x4000  }
0x78: {  	[sflag:s12] =	ssyncset.done $0x0  }
0x79: {  	[sflag:s12] =	ssyncadd.s32 $0xFFFFC000  }
0x7a: {  	_ =	swait.ge [sflag:s11], $0x4000  }
0x7b: {  	[sflag:s11] =	ssyncset.done $0x0  }
0x7c: {  	[sflag:s11] =	ssyncadd.s32 $0xFFFFC000  }
0x7d: {  	_ =	swait.ge [sflag:s9], $0x4000  }
0x7e: {  	[sflag:s9] =	ssyncset.done $0x0  }
0x7f: {  	[sflag:s9] =	ssyncadd.s32 $0xFFFFC000  }
0x80: {  	_ =	swait.ge [sflag:s8], $0x4000  }
0x81: {  	[sflag:s8] =	ssyncset.done $0x0  }
0x82: {  	p1 =	sne.s32 s26, $0x1;
	[sflag:s8] =	ssyncadd.s32 $0xFFFFC000  }
.Ltmp1:
0x83: {  	_ =	swait.ge [sflag:s5], $0x4000;
	(pc) =	sbr.rel @!p1 .LBB2_4-.Ltmp1, $4  }
0x84: {  	[sflag:s5] =	ssyncset.done $0x0  }
0x85: {  	[sflag:s5] =	ssyncadd.s32 $0xFFFFC000  }
0x86: {  	p0 =	por $0x1, $0x1;
	_ =	swait.ge [sflag:s4], $0x4000  }
0x87: {  	s20 =	sadd.s32 $0xFFFFFFFF, s26;
	s23 =	rddreg [dreg:$0x6];
	[sflag:s4] =	ssyncset.done $0x0  }
0x88: {  	s30 =	simm.s32 $0x400;
	s28 =	simm.s32 $0x500  }
.LBB2_3:
0x89: {  	[sflag:s4] =	ssyncadd.s32 $0xFFFFC000  }
0x8a: {  	[tilespmem:s2], [sflag:$0xE] =	stream.linear.gather [hbm4b:s23+s2], $0x200, $0x38;
	[tilespmem:$0x18600] =	vst v63  }
0x8b: {  	_ =	swait.ge [sflag:s18], $0x200  }
0x8c: {  	[sflag:s18] =	ssyncset.done $0x0  }
0x8d: {  	s23 =	simm.s32 $0x200;
	[sflag:s18] =	ssyncadd.s32 $0xFFFFFE00  }
0x8e: {  	[tilespmem:s23], [sflag:$0x1] =	stream.indirect.gather [hbm4b:s0+s15], $0x1, s2, s15, $0xb8;
	[tilespmem:$0x18600] =	vst v63  }
0x8f: {  	s17 =	simm.s32 $0x280  }
0x90: {  	[tilespmem:s17], [sflag:$0x1] =	stream.indirect.gather [hbm4b:s0+s15], $0x1, s15, s15, $0xb8;
	[tilespmem:$0x18600] =	vst v63  }
0x91: {  	s29 =	simm.s32 $0x300;
	s16 =	simm.s32 $0x100  }
0x92: {  	[tilespmem:s29], [sflag:$0x1] =	stream.indirect.gather [hbm4b:s0+s15], $0x1, s16, s15, $0xb8;
	[tilespmem:$0x18600] =	vst v63  }
0x93: {  	s26 =	simm.s32 $0x380;
	s25 =	simm.s32 $0x180  }
0x94: {  	[tilespmem:s26], [sflag:$0x1] =	stream.indirect.gather [hbm4b:s0+s15], $0x1, s25, s15, $0xb8;
	[tilespmem:$0x18600] =	vst v63  }
0x95: {  	_ = 	snop  }
0x96: {  	[tilespmem:s30], [sflag:$0x1] =	stream.indirect.gather [hbm4b:s13+s15], $0x1, s2, s15, $0xb8;
	[tilespmem:$0x18600] =	vst v63  }
0x97: {  	_ = 	snop  }
0x98: {  	[tilespmem:s31], [sflag:$0x1] =	stream.indirect.gather [hbm4b:s13+s15], $0x1, s15, s15, $0xb8;
	[tilespmem:$0x18600] =	vst v63  }
0x99: {  	_ = 	snop  }
0x9a: {  	[tilespmem:s28], [sflag:$0x1] =	stream.indirect.gather [hbm4b:s13+s15], $0x1, s16, s15, $0xb8;
	[tilespmem:$0x18600] =	vst v63  }
0x9b: {  	s16 =	simm.s32 $0x580  }
0x9c: {  	[tilespmem:s16], [sflag:$0x1] =	stream.indirect.gather [hbm4b:s13+s15], $0x1, s25, s15, $0xb8;
	[tilespmem:$0x18600] =	vst v63  }
0x9d: {  	_ =	swait.ge [sflag:s1], $0x80  }
0x9e: {  	[sflag:s1] =	ssyncset.done $0x0  }
0x9f: {  	[sflag:s1] =	ssyncadd.s32 $0xFFFFFF80  }
0xa0: {  	_ =	swait.ge [sflag:s1], $0x80  }
0xa1: {  	[sflag:s1] =	ssyncset.done $0x0  }
0xa2: {  	[sflag:s1] =	ssyncadd.s32 $0xFFFFFF80  }
0xa3: {  	_ =	swait.ge [sflag:s1], $0x80  }
0xa4: {  	[sflag:s1] =	ssyncset.done $0x0  }
0xa5: {  	[sflag:s1] =	ssyncadd.s32 $0xFFFFFF80  }
0xa6: {  	_ =	swait.ge [sflag:s1], $0x80  }
0xa7: {  	[sflag:s1] =	ssyncset.done $0x0  }
0xa8: {  	[sflag:s1] =	ssyncadd.s32 $0xFFFFFF80  }
0xa9: {  	_ =	swait.ge [sflag:s1], $0x80  }
0xaa: {  	[sflag:s1] =	ssyncset.done $0x0  }
0xab: {  	[sflag:s1] =	ssyncadd.s32 $0xFFFFFF80  }
0xac: {  	_ =	swait.ge [sflag:s1], $0x80  }
0xad: {  	[sflag:s1] =	ssyncset.done $0x0  }
0xae: {  	[sflag:s1] =	ssyncadd.s32 $0xFFFFFF80  }
0xaf: {  	_ =	swait.ge [sflag:s1], $0x80  }
0xb0: {  	[sflag:s1] =	ssyncset.done $0x0  }
0xb1: {  	[sflag:s1] =	ssyncadd.s32 $0xFFFFFF80  }
0xb2: {  	_ =	swait.ge [sflag:s1], $0x80  }
0xb3: {  	[sflag:s1] =	ssyncset.done $0x0  }
0xb4: {  	[sflag:s1] =	ssyncadd.s32 $0xFFFFFF80  }
0xb5: {  	[tilespmem:s7], [sflag:$0x2] =	stream.indirect.gather [hbm4b:s3+s15], $0x80, s23, s15, $0xb8;
	[tilespmem:$0x18600] =	vst v63  }
0xb6: {  	_ = 	snop  }
0xb7: {  	[tilespmem:s6], [sflag:$0x3] =	stream.indirect.gather [hbm4b:s3+s15], $0x80, s17, s15, $0xb8;
	[tilespmem:$0x18600] =	vst v63  }
0xb8: {  	s17 =	simm.s32 $0x8600  }
0xb9: {  	[tilespmem:s17], [sflag:$0x4] =	stream.indirect.gather [hbm4b:s3+s15], $0x80, s29, s15, $0xb8;
	[tilespmem:$0x18600] =	vst v63  }
0xba: {  	s25 =	simm.s32 $0xC600  }
0xbb: {  	[tilespmem:s25], [sflag:$0x5] =	stream.indirect.gather [hbm4b:s3+s15], $0x80, s26, s15, $0xb8;
	[tilespmem:$0x18600] =	vst v63  }
0xbc: {  	s26 =	simm.s32 $0x10600  }
0xbd: {  	[tilespmem:s26], [sflag:$0x6] =	stream.indirect.gather [hbm4b:s3+s15], $0x80, s30, s15, $0xb8;
	[tilespmem:$0x18600] =	vst v63  }
0xbe: {  	s29 =	simm.s32 $0x14600  }
0xbf: {  	[tilespmem:s29], [sflag:$0x7] =	stream.indirect.gather [hbm4b:s3+s15], $0x80, s31, s15, $0xb8;
	[tilespmem:$0x18600] =	vst v63  }
0xc0: {  	_ =	swait.ge [sflag:s14], $0x4000  }
0xc1: {  	[sflag:s14] =	ssyncset.done $0x0  }
0xc2: {  	s23 =	rddreg [dreg:$0x7];
	[sflag:s14] =	ssyncadd.s32 $0xFFFFC000  }
0xc3: {  	[hbm4b:s23+s2] =	stream.linear.scatter [tilespmem:s7], [sflag:$0x8], $0x4000, $0x38;
	[tilespmem:$0x18600] =	vst v63  }
0xc4: {  	_ =	swait.ge [sflag:s5], $0x4000  }
0xc5: {  	[sflag:s5] =	ssyncset.done $0x0  }
0xc6: {  	[sflag:s5] =	ssyncadd.s32 $0xFFFFC000  }
0xc7: {  	[tilespmem:s7], [sflag:$0x2] =	stream.indirect.gather [hbm4b:s3+s15], $0x80, s28, s15, $0xb8;
	[tilespmem:$0x18600] =	vst v63  }
0xc8: {  	_ =	swait.ge [sflag:s10], $0x4000  }
0xc9: {  	[sflag:s10] =	ssyncset.done $0x0  }
0xca: {  	s23 =	rddreg [dreg:$0x8];
	[sflag:s10] =	ssyncadd.s32 $0xFFFFC000  }
0xcb: {  	[hbm4b:s23+s2] =	stream.linear.scatter [tilespmem:s6], [sflag:$0x9], $0x4000, $0x38;
	[tilespmem:$0x18600] =	vst v63  }
0xcc: {  	_ =	swait.ge [sflag:s4], $0x4000  }
0xcd: {  	[sflag:s4] =	ssyncset.done $0x0  }
0xce: {  	[sflag:s4] =	ssyncadd.s32 $0xFFFFC000  }
0xcf: {  	[tilespmem:s6], [sflag:$0x3] =	stream.indirect.gather [hbm4b:s3+s15], $0x80, s16, s15, $0xb8;
	[tilespmem:$0x18600] =	vst v63  }
0xd0: {  	_ =	swait.ge [sflag:s24], $0x4000  }
0xd1: {  	[sflag:s24] =	ssyncset.done $0x0  }
0xd2: {  	s16 =	rddreg [dreg:$0x9];
	[sflag:s24] =	ssyncadd.s32 $0xFFFFC000  }
0xd3: {  	[hbm4b:s16+s2] =	stream.linear.scatter [tilespmem:s17], [sflag:$0xA], $0x4000, $0x38;
	[tilespmem:$0x18600] =	vst v63  }
0xd4: {  	_ =	swait.ge [sflag:s22], $0x4000  }
0xd5: {  	[sflag:s22] =	ssyncset.done $0x0  }
0xd6: {  	s16 =	rddreg [dreg:$0xa];
	[sflag:s22] =	ssyncadd.s32 $0xFFFFC000  }
0xd7: {  	[hbm4b:s16+s2] =	stream.linear.scatter [tilespmem:s25], [sflag:$0xB], $0x4000, $0x38;
	[tilespmem:$0x18600] =	vst v63  }
0xd8: {  	_ =	swait.ge [sflag:s21], $0x4000  }
0xd9: {  	[sflag:s21] =	ssyncset.done $0x0  }
0xda: {  	s17 =	rddreg [dreg:$0xb];
	[sflag:s21] =	ssyncadd.s32 $0xFFFFC000  }
0xdb: {  	[hbm4b:s17+s2] =	stream.linear.scatter [tilespmem:s26], [sflag:$0xC], $0x4000, $0x38;
	[tilespmem:$0x18600] =	vst v63  }
0xdc: {  	_ =	swait.ge [sflag:s19], $0x4000  }
0xdd: {  	[sflag:s19] =	ssyncset.done $0x0  }
0xde: {  	s25 =	rddreg [dreg:$0xc];
	[sflag:s19] =	ssyncadd.s32 $0xFFFFC000  }
0xdf: {  	[hbm4b:s25+s2] =	stream.linear.scatter [tilespmem:s29], [sflag:$0xD], $0x4000, $0x38;
	[tilespmem:$0x18600] =	vst v63  }
0xe0: {  	_ =	swait.ge [sflag:s14], $0x4000  }
0xe1: {  	[sflag:s14] =	ssyncset.done $0x0  }
0xe2: {  	s26 =	rddreg [dreg:$0xd];
	[sflag:s14] =	ssyncadd.s32 $0xFFFFC000  }
0xe3: {  	[hbm4b:s26+s2] =	stream.linear.scatter [tilespmem:s7], [sflag:$0x8], $0x4000, $0x38;
	[tilespmem:$0x18600] =	vst v63  }
0xe4: {  	_ =	swait.ge [sflag:s10], $0x4000  }
0xe5: {  	[sflag:s10] =	ssyncset.done $0x0  }
0xe6: {  	s29 =	rddreg [dreg:$0xe];
	[sflag:s10] =	ssyncadd.s32 $0xFFFFC000  }
0xe7: {  	[hbm4b:s29+s2] =	stream.linear.scatter [tilespmem:s6], [sflag:$0x9], $0x4000, $0x38;
	[tilespmem:$0x18600] =	vst v63  }
0xe8: {  	_ =	swait.ge [sflag:s12], $0x4000  }
0xe9: {  	[sflag:s12] =	ssyncset.done $0x0  }
0xea: {  	[sflag:s12] =	ssyncadd.s32 $0xFFFFC000  }
0xeb: {  	_ =	swait.ge [sflag:s11], $0x4000  }
0xec: {  	[sflag:s11] =	ssyncset.done $0x0  }
0xed: {  	[sflag:s11] =	ssyncadd.s32 $0xFFFFC000  }
0xee: {  	_ =	swait.ge [sflag:s9], $0x4000  }
0xef: {  	[sflag:s9] =	ssyncset.done $0x0  }
0xf0: {  	[sflag:s9] =	ssyncadd.s32 $0xFFFFC000  }
0xf1: {  	_ =	swait.ge [sflag:s8], $0x4000  }
0xf2: {  	[sflag:s8] =	ssyncset.done $0x0  }
0xf3: {  	p1 =	sne.s32 s20, $0x1;
	[sflag:s8] =	ssyncadd.s32 $0xFFFFC000  }
.Ltmp2:
0xf4: {  	_ =	swait.ge [sflag:s5], $0x4000;
	(pc) =	sbr.rel @p1 .LBB2_3-.Ltmp2, $4  }
0xf5: {  	[sflag:s5] =	ssyncset.done $0x0  }
0xf6: {  	[sflag:s5] =	ssyncadd.s32 $0xFFFFC000  }
0xf7: {  	_ =	swait.ge [sflag:s4], $0x4000  }
0xf8: {  	s20 =	sadd.s32 $0xFFFFFFFF, s20;
	s23 =	rddreg [dreg:$0x6];
	[sflag:s4] =	ssyncset.done $0x0  }
.LBB2_4:
0xf9: {  	[sflag:s4] =	ssyncadd.s32 @p0 $0xFFFFC000  }
0xfa: {  	[tilespmem:s2], [sflag:$0xE] =	stream.linear.gather [hbm4b:s23+s2], $0x200, $0x38;
	[tilespmem:$0x18600] =	vst v63  }
0xfb: {  	_ =	swait.ge [sflag:s18], $0x200  }
0xfc: {  	[sflag:s18] =	ssyncset.done $0x0  }
0xfd: {  	s16 =	simm.s32 $0x200;
	[sflag:s18] =	ssyncadd.s32 $0xFFFFFE00  }
0xfe: {  	[tilespmem:s16], [sflag:$0x1] =	stream.indirect.gather [hbm4b:s0+s15], $0x1, s2, s15, $0xb8;
	[tilespmem:$0x18600] =	vst v63  }
0xff: {  	s17 =	simm.s32 $0x280  }
0x100: {  	[tilespmem:s17], [sflag:$0x1] =	stream.indirect.gather [hbm4b:s0+s15], $0x1, s15, s15, $0xb8;
	[tilespmem:$0x18600] =	vst v63  }
0x101: {  	s29 =	simm.s32 $0x300;
	s30 =	simm.s32 $0x100  }
0x102: {  	[tilespmem:s29], [sflag:$0x1] =	stream.indirect.gather [hbm4b:s0+s15], $0x1, s30, s15, $0xb8;
	[tilespmem:$0x18600] =	vst v63  }
0x103: {  	s25 =	simm.s32 $0x380;
	s28 =	simm.s32 $0x180  }
0x104: {  	[tilespmem:s25], [sflag:$0x1] =	stream.indirect.gather [hbm4b:s0+s15], $0x1, s28, s15, $0xb8;
	[tilespmem:$0x18600] =	vst v63  }
0x105: {  	s31 =	simm.s32 $0x400  }
0x106: {  	[tilespmem:s31], [sflag:$0x1] =	stream.indirect.gather [hbm4b:s13+s15], $0x1, s2, s15, $0xb8;
	[tilespmem:$0x18600] =	vst v63  }
0x107: {  	s26 =	simm.s32 $0x480  }
0x108: {  	[tilespmem:s26], [sflag:$0x1] =	stream.indirect.gather [hbm4b:s13+s15], $0x1, s15, s15, $0xb8;
	[tilespmem:$0x18600] =	vst v63  }
0x109: {  	s20 =	simm.s32 $0x500  }
0x10a: {  	[tilespmem:s20], [sflag:$0x1] =	stream.indirect.gather [hbm4b:s13+s15], $0x1, s30, s15, $0xb8;
	[tilespmem:$0x18600] =	vst v63  }
0x10b: {  	s18 =	simm.s32 $0x580  }
0x10c: {  	[tilespmem:s18], [sflag:$0x1] =	stream.indirect.gather [hbm4b:s13+s15], $0x1, s28, s15, $0xb8;
	[tilespmem:$0x18600] =	vst v63  }
0x10d: {  	_ =	swait.ge [sflag:s1], $0x80  }
0x10e: {  	[sflag:s1] =	ssyncset.done $0x0  }
0x10f: {  	[sflag:s1] =	ssyncadd.s32 $0xFFFFFF80  }
0x110: {  	_ =	swait.ge [sflag:s1], $0x80  }
0x111: {  	[sflag:s1] =	ssyncset.done $0x0  }
0x112: {  	[sflag:s1] =	ssyncadd.s32 $0xFFFFFF80  }
0x113: {  	_ =	swait.ge [sflag:s1], $0x80  }
0x114: {  	[sflag:s1] =	ssyncset.done $0x0  }
0x115: {  	[sflag:s1] =	ssyncadd.s32 $0xFFFFFF80  }
0x116: {  	_ =	swait.ge [sflag:s1], $0x80  }
0x117: {  	[sflag:s1] =	ssyncset.done $0x0  }
0x118: {  	[sflag:s1] =	ssyncadd.s32 $0xFFFFFF80  }
0x119: {  	_ =	swait.ge [sflag:s1], $0x80  }
0x11a: {  	[sflag:s1] =	ssyncset.done $0x0  }
0x11b: {  	[sflag:s1] =	ssyncadd.s32 $0xFFFFFF80  }
0x11c: {  	_ =	swait.ge [sflag:s1], $0x80  }
0x11d: {  	[sflag:s1] =	ssyncset.done $0x0  }
0x11e: {  	[sflag:s1] =	ssyncadd.s32 $0xFFFFFF80  }
0x11f: {  	_ =	swait.ge [sflag:s1], $0x80  }
0x120: {  	[sflag:s1] =	ssyncset.done $0x0  }
0x121: {  	[sflag:s1] =	ssyncadd.s32 $0xFFFFFF80  }
0x122: {  	_ =	swait.ge [sflag:s1], $0x80  }
0x123: {  	[sflag:s1] =	ssyncset.done $0x0  }
0x124: {  	[sflag:s1] =	ssyncadd.s32 $0xFFFFFF80  }
0x125: {  	[tilespmem:s7], [sflag:$0x2] =	stream.indirect.gather [hbm4b:s3+s15], $0x80, s16, s15, $0xb8;
	[tilespmem:$0x18600] =	vst v63  }
0x126: {  	_ = 	snop  }
0x127: {  	[tilespmem:s6], [sflag:$0x3] =	stream.indirect.gather [hbm4b:s3+s15], $0x80, s17, s15, $0xb8;
	[tilespmem:$0x18600] =	vst v63  }
0x128: {  	s16 =	simm.s32 $0x8600  }
0x129: {  	[tilespmem:s16], [sflag:$0x4] =	stream.indirect.gather [hbm4b:s3+s15], $0x80, s29, s15, $0xb8;
	[tilespmem:$0x18600] =	vst v63  }
0x12a: {  	s28 =	simm.s32 $0xC600  }
0x12b: {  	[tilespmem:s28], [sflag:$0x5] =	stream.indirect.gather [hbm4b:s3+s15], $0x80, s25, s15, $0xb8;
	[tilespmem:$0x18600] =	vst v63  }
0x12c: {  	s29 =	simm.s32 $0x10600  }
0x12d: {  	[tilespmem:s29], [sflag:$0x6] =	stream.indirect.gather [hbm4b:s3+s15], $0x80, s31, s15, $0xb8;
	[tilespmem:$0x18600] =	vst v63  }
0x12e: {  	s30 =	simm.s32 $0x14600  }
0x12f: {  	[tilespmem:s30], [sflag:$0x7] =	stream.indirect.gather [hbm4b:s3+s15], $0x80, s26, s15, $0xb8;
	[tilespmem:$0x18600] =	vst v63  }
0x130: {  	_ =	swait.ge [sflag:s14], $0x4000  }
0x131: {  	[sflag:s14] =	ssyncset.done $0x0  }
0x132: {  	s31 =	rddreg [dreg:$0x7];
	[sflag:s14] =	ssyncadd.s32 $0xFFFFC000  }
0x133: {  	[hbm4b:s31+s2] =	stream.linear.scatter [tilespmem:s7], [sflag:$0x8], $0x4000, $0x38;
	[tilespmem:$0x18600] =	vst v63  }
0x134: {  	_ =	swait.ge [sflag:s5], $0x4000  }
0x135: {  	[sflag:s5] =	ssyncset.done $0x0  }
0x136: {  	[sflag:s5] =	ssyncadd.s32 $0xFFFFC000  }
0x137: {  	[tilespmem:s7], [sflag:$0x2] =	stream.indirect.gather [hbm4b:s3+s15], $0x80, s20, s15, $0xb8;
	[tilespmem:$0x18600] =	vst v63  }
0x138: {  	_ =	swait.ge [sflag:s10], $0x4000  }
0x139: {  	[sflag:s10] =	ssyncset.done $0x0  }
0x13a: {  	s20 =	rddreg [dreg:$0x8];
	[sflag:s10] =	ssyncadd.s32 $0xFFFFC000  }
0x13b: {  	[hbm4b:s20+s2] =	stream.linear.scatter [tilespmem:s6], [sflag:$0x9], $0x4000, $0x38;
	[tilespmem:$0x18600] =	vst v63  }
0x13c: {  	_ =	swait.ge [sflag:s4], $0x4000  }
0x13d: {  	[sflag:s4] =	ssyncset.done $0x0  }
0x13e: {  	[sflag:s4] =	ssyncadd.s32 $0xFFFFC000  }
0x13f: {  	[tilespmem:s6], [sflag:$0x3] =	stream.indirect.gather [hbm4b:s3+s15], $0x80, s18, s15, $0xb8;
	[tilespmem:$0x18600] =	vst v63  }
0x140: {  	_ =	swait.ge [sflag:s24], $0x4000  }
0x141: {  	[sflag:s24] =	ssyncset.done $0x0  }
0x142: {  	s23 =	rddreg [dreg:$0x9];
	[sflag:s24] =	ssyncadd.s32 $0xFFFFC000  }
0x143: {  	[hbm4b:s23+s2] =	stream.linear.scatter [tilespmem:s16], [sflag:$0xA], $0x4000, $0x38;
	[tilespmem:$0x18600] =	vst v63  }
0x144: {  	_ =	swait.ge [sflag:s22], $0x4000  }
0x145: {  	[sflag:s22] =	ssyncset.done $0x0  }
0x146: {  	s25 =	rddreg [dreg:$0xa];
	[sflag:s22] =	ssyncadd.s32 $0xFFFFC000  }
0x147: {  	[hbm4b:s25+s2] =	stream.linear.scatter [tilespmem:s28], [sflag:$0xB], $0x4000, $0x38;
	[tilespmem:$0x18600] =	vst v63  }
0x148: {  	_ =	swait.ge [sflag:s21], $0x4000  }
0x149: {  	[sflag:s21] =	ssyncset.done $0x0  }
0x14a: {  	s26 =	rddreg [dreg:$0xb];
	[sflag:s21] =	ssyncadd.s32 $0xFFFFC000  }
0x14b: {  	[hbm4b:s26+s2] =	stream.linear.scatter [tilespmem:s29], [sflag:$0xC], $0x4000, $0x38;
	[tilespmem:$0x18600] =	vst v63  }
0x14c: {  	_ =	swait.ge [sflag:s19], $0x4000  }
0x14d: {  	[sflag:s19] =	ssyncset.done $0x0  }
0x14e: {  	s28 =	rddreg [dreg:$0xc];
	[sflag:s19] =	ssyncadd.s32 $0xFFFFC000  }
0x14f: {  	[hbm4b:s28+s2] =	stream.linear.scatter [tilespmem:s30], [sflag:$0xD], $0x4000, $0x38;
	[tilespmem:$0x18600] =	vst v63  }
0x150: {  	_ =	swait.ge [sflag:s14], $0x4000  }
0x151: {  	[sflag:s14] =	ssyncset.done $0x0  }
0x152: {  	s29 =	rddreg [dreg:$0xd];
	[sflag:s14] =	ssyncadd.s32 $0xFFFFC000  }
0x153: {  	[hbm4b:s29+s2] =	stream.linear.scatter [tilespmem:s7], [sflag:$0x8], $0x4000, $0x38;
	[tilespmem:$0x18600] =	vst v63  }
0x154: {  	_ =	swait.ge [sflag:s10], $0x4000  }
0x155: {  	[sflag:s10] =	ssyncset.done $0x0  }
0x156: {  	s30 =	rddreg [dreg:$0xe];
	[sflag:s10] =	ssyncadd.s32 $0xFFFFC000  }
0x157: {  	[hbm4b:s30+s2] =	stream.linear.scatter [tilespmem:s6], [sflag:$0x9], $0x4000, $0x38;
	[tilespmem:$0x18600] =	vst v63  }
0x158: {  	_ =	swait.ge [sflag:s12], $0x4000  }
0x159: {  	[sflag:s12] =	ssyncset.done $0x0  }
0x15a: {  	[sflag:s12] =	ssyncadd.s32 $0xFFFFC000  }
0x15b: {  	_ =	swait.ge [sflag:s11], $0x4000  }
0x15c: {  	[sflag:s11] =	ssyncset.done $0x0  }
0x15d: {  	[sflag:s11] =	ssyncadd.s32 $0xFFFFC000  }
0x15e: {  	_ =	swait.ge [sflag:s9], $0x4000  }
0x15f: {  	[sflag:s9] =	ssyncset.done $0x0  }
0x160: {  	[sflag:s9] =	ssyncadd.s32 $0xFFFFC000  }
0x161: {  	_ =	swait.ge [sflag:s8], $0x4000  }
0x162: {  	[sflag:s8] =	ssyncset.done $0x0  }
0x163: {  	[sflag:s8] =	ssyncadd.s32 $0xFFFFC000  }
0x164: {  	_ =	swait.ge [sflag:s5], $0x4000  }
0x165: {  	[sflag:s5] =	ssyncset.done $0x0  }
0x166: {  	[sflag:s5] =	ssyncadd.s32 $0xFFFFC000  }
0x167: {  	_ =	swait.ge [sflag:s4], $0x4000  }
0x168: {  	[sflag:s4] =	ssyncset.done $0x0  }
0x169: {  	[sflag:s4] =	ssyncadd.s32 $0xFFFFC000  }
0x16a: {  	_ =	sfence.sel $0x180000  }
0x16b: {  	[bflag:$0x0] =	sbarrier.arrive $0xFFFF  }
0x16c: {  	_ =	strace $0x90000047  }
0x16d: {  	s31 =	stileid.u32;
	[bflag:$0x2] =	sbarrier.arrive $0xFFFF  }
0x16e: {  	p0 =	sne.s32 s31, $0x0;
	s0 =	rddreg [dreg:$0x5]  }
0x16f: {  	s0 =	sadd.s32 @!p0 $0x100000, s0  }
0x170: {  	[sflag:s0] =	ssyncadd.tile.s32 @!p0 $0x1;
	_ =	shalt  }
.Lfunc_end2:
_tile_overlayer_lowered:
.L_overlay_start_2:
0x171: {  	(tag) =	ssettag $0x2  }
0x172: {  	s0 =	rddreg [dreg:$0x0];
	s2 =	stileid.u32  }
0x173: {  	s1 =	rddreg [dreg:$0x1];
	p0 =	sne.s32 s2, $0x0  }
0x174: {  	s3 =	rddreg [dreg:$0x2];
	[bflag:$0x3] =	sbarrier.arrive $0xFFFF;
	s2 =	simm.s32 @!p0 $0x1C0E  }
0x175: {  	[timem:s3], [sflag:s2] =	dma.local @!p0 [hbm:s0], s1  }
0x176: {  	s0 =	simm.s32 @!p0 $0xE  }
0x177: {  	_ =	swait.ge @!p0 [sflag:s0], s1  }
0x178: {  	s1 =	ssub.s32 @!p0 $0x0, s1;
	[sflag:s0] =	ssyncset.done @!p0 $0x0  }
0x179: {  	[sflag:s0] =	ssyncadd.s32 @!p0 s1  }
0x17a: {  	[bflag:$0x3] =	sbarrier.arrive $0xFFFF  }
0x17b: {  	_ =	shalt  }

</sc_bundles>
